<compile_context>
chip_gen: v7x
topology: tpu7x:2x2x1
jax: 0.10.2.dev20260603
libtpu: 0.0.44.dev20260713+nightly
codegen_flags: <defaults>
</compile_context>

<pallas_src>
import functools

import jax
import jax.numpy as jnp
from jax import lax
from jax.experimental import pallas as pl
from jax.experimental.pallas import tpu as pltpu
from jax.experimental.pallas import tpu_sc as plsc

_ROWSUM_BM = 256


def _rowsum_body(a_ref, o_ref):
    o_ref[...] = jnp.sum(a_ref[...], axis=1, keepdims=True)


@functools.lru_cache(maxsize=None)
def _make_sc_gather(b, d):
    info = plsc.get_sparse_core_info()
    nc, ns = info.num_cores, info.num_subcores
    nw = nc * ns
    bw = b // nw
    mesh = plsc.VectorSubcoreMesh(core_axis_name="c", subcore_axis_name="s")

    @functools.partial(
        pl.kernel,
        mesh=mesh,
        out_type=jax.ShapeDtypeStruct((b, d), jnp.float32),
        scratch_types=[
            pltpu.VMEM((bw,), jnp.int32),
            pltpu.VMEM((bw, d), jnp.float32),
            pltpu.SemaphoreType.DMA,
        ],
        compiler_params=pltpu.CompilerParams(
            use_tc_tiling_on_sc=False, needs_layout_passes=False
        ),
    )
    def sc_gather(table_hbm, idx_hbm, emb_out, idx_v, rows_v, sem):
        cid = lax.axis_index("c")
        sid = lax.axis_index("s")
        wid = sid * nc + cid
        base = wid * bw
        pltpu.sync_copy(idx_hbm.at[pl.ds(base, bw)], idx_v)
        cp = pltpu.async_copy(table_hbm.at[idx_v], rows_v, sem)
        cp.wait()
        pltpu.sync_copy(rows_v, emb_out.at[pl.ds(base, bw)])

    return sc_gather


@functools.lru_cache(maxsize=None)
def _make_sc_degree(b):
    info = plsc.get_sparse_core_info()
    nc, ns, nl = info.num_cores, info.num_subcores, info.num_lanes
    nw = nc * ns
    bw = b // nw
    bp = 2 * bw
    mesh = plsc.VectorSubcoreMesh(core_axis_name="c", subcore_axis_name="s")

    @functools.partial(
        pl.kernel,
        mesh=mesh,
        out_type=jax.ShapeDtypeStruct((b,), jnp.float32),
        scratch_types=[
            pltpu.VMEM((bp,), jnp.int32),
            pltpu.VMEM((bp,), jnp.float32),
            pltpu.VMEM((bw,), jnp.float32),
            pltpu.VMEM((nl,), jnp.float32),
            pltpu.VMEM((ns * nl,), jnp.float32),
            pltpu.VMEM_SHARED((ns * nl,), jnp.float32),
            pltpu.SemaphoreType.DMA,
        ],
        compiler_params=pltpu.CompilerParams(
            use_tc_tiling_on_sc=False, needs_layout_passes=False
        ),
    )
    def sc_degree(idx_hbm, deg_hbm, dn_out,
                  idxp_v, degp_v, dn_v, mx_v, allmx_v, shared_mx, sem):
        cid = lax.axis_index("c")
        sid = lax.axis_index("s")
        wid = sid * nc + cid
        base = wid * bw
        pair_base = (wid // 2) * bp
        off = (wid % 2) * bw
        pltpu.sync_copy(idx_hbm.at[pl.ds(pair_base, bp)], idxp_v)
        cp = pltpu.async_copy(deg_hbm.at[idxp_v], degp_v, sem)
        cp.wait()
        mx = degp_v[pl.ds(0, nl)]
        for i in range(1, bp // nl):
            mx = jnp.maximum(mx, degp_v[pl.ds(i * nl, nl)])
        mx_v[...] = mx
        pltpu.sync_copy(mx_v, shared_mx.at[pl.ds(sid * nl, nl)])
        plsc.subcore_barrier()
        pltpu.sync_copy(shared_mx, allmx_v)
        mxall = allmx_v[pl.ds(0, nl)]
        for i in range(1, ns):
            mxall = jnp.maximum(mxall, allmx_v[pl.ds(i * nl, nl)])
        m = jnp.max(mxall)
        for i in range(bw // nl):
            c = degp_v[pl.ds(off + i * nl, nl)]
            dn_v[pl.ds(i * nl, nl)] = jnp.where(m > 0, c / m, c)
        pltpu.sync_copy(dn_v, dn_out.at[pl.ds(base, bw)])

    return sc_degree


def kernel(env, indices, A, id_emb_weight):
    m, _ = A.shape
    b = indices.shape[0]
    d = id_emb_weight.shape[1]
    idx32 = indices.astype(jnp.int32)
    emb = _make_sc_gather(b, d)(id_emb_weight, idx32)
    deg2 = pl.pallas_call(
        _rowsum_body,
        grid=(m // _ROWSUM_BM,),
        in_specs=[pl.BlockSpec((_ROWSUM_BM, m), lambda i: (i, 0))],
        out_specs=pl.BlockSpec((_ROWSUM_BM, 1), lambda i: (i, 0)),
        out_shape=jax.ShapeDtypeStruct((m, 1), jnp.float32),
    )(A)
    dn = _make_sc_degree(b)(idx32, deg2.reshape(m))
    return jnp.concatenate(
        [emb, dn[:, None], jnp.zeros((b, 2), jnp.float32)], axis=1
    )

# --- scband reference (transcript-rebuilt; emitter-appended) ---
"""Pipeline reference for scband-structural-node-featurizer-73564199845972 (READ-ONLY COPY).

The authoritative reference and input builder live on the scoring server;
editing this copy changes nothing except your own understanding.
"""

import jax, jax.numpy as jnp
import numpy as np

M = 16384
B = 16384
ID_DIM = 16

def setup_inputs(seed: int = 0) -> dict:
    key = jax.random.key(seed)
    k1, k2, k3 = jax.random.split(key, 3)
    indices = jax.random.randint(k1, (B,), 0, M)
    A = jax.random.uniform(k2, (M, M), dtype=jnp.float32)
    id_emb_weight = jax.random.normal(k3, (M, ID_DIM), dtype=jnp.float32) * 0.02
    return {"env": 0, "indices": indices, "A": A, "id_emb_weight": id_emb_weight}

def reference(env, indices, A, id_emb_weight):
    # emb = self.id_emb(idx_t)  -> embedding gather
    emb = jnp.take(id_emb_weight, indices, axis=0)
    # deg = A.sum(dim=1); deg_sel = deg[indices].unsqueeze(1)
    deg = jnp.sum(A, axis=1)
    deg_sel = jnp.take(deg, indices, axis=0)[:, None]
    # if deg_sel.max() > 0: deg_sel = deg_sel / deg_sel.max()
    m = jnp.max(deg_sel)
    deg_sel = jnp.where(m > 0, deg_sel / m, deg_sel)
    # env=0 (plain int) -> no devices list -> visible/owned flags all zero
    n = indices.shape[0]
    vis_t = jnp.zeros((n, 1), dtype=jnp.float32)
    own_t = jnp.zeros((n, 1), dtype=jnp.float32)
    # parts = [emb, deg_sel, vis_t, own_t] (use_degree=True)
    return jnp.concatenate([emb, deg_sel, vis_t, own_t], axis=1)

if __name__ == "__main__":
    import jax
    _d = setup_inputs()
    print(jax.jit(kernel)(*tuple(_d.values())))

</pallas_src>

<mosaic_0001>
#map = affine_map<(d0, d1) -> (0)>
module attributes {stable_mosaic.version = 14 : i64} {
  func.func @sc_degree(%arg0: i32, %arg1: i32, %arg2: memref<16384xi32, #tpu.memory_space<hbm>>, %arg3: memref<16384xf32, #tpu.memory_space<hbm>>, %arg4: memref<16384xf32, #tpu.memory_space<hbm>>, %arg5: memref<1024xi32, #tpu.memory_space<vmem>>, %arg6: memref<1024xf32, #tpu.memory_space<vmem>>, %arg7: memref<512xf32, #tpu.memory_space<vmem>>, %arg8: memref<16xf32, #tpu.memory_space<vmem>>, %arg9: memref<256xf32, #tpu.memory_space<vmem>>, %arg10: memref<256xf32, #tpu.memory_space<vmem_shared>>, %arg11: memref<!tpu.dma_semaphore, #tpu.memory_space<semaphore_mem>>) attributes {dimension_semantics = [#tpu.dimension_semantics<core_parallel>, #tpu.dimension_semantics<subcore_parallel>], iteration_bounds = array<i64: 2, 16>, scalar_prefetch = 0 : i64, scratch_operands = 7 : i64, tpu.core_type = #tpu.core_type<sc_vector_subcore>, window_params = [{transform_indices = #map}, {transform_indices = #map}, {transform_indices = #map}]} {
    %mul3A = arith.constant 2 : i32
    %mul3A_0 = arith.muli %arg1, %mul3A : i32
    %add3A = arith.addi %mul3A_0, %arg0 : i32
    %mul3A_1 = arith.constant 512 : i32
    %mul3A_2 = arith.muli %add3A, %mul3A_1 : i32
    %jit3A = arith.constant 2 : i32
    %div3A = arith.divsi %add3A, %jit3A : i32
    %sign3A = arith.constant 0 : i32
    %sign3A_3 = arith.cmpi sgt, %add3A, %sign3A : i32
    %sign3A_4 = arith.extui %sign3A_3 : i1 to i32
    %sign3A_5 = arith.constant 0 : i32
    %sign3A_6 = arith.cmpi slt, %add3A, %sign3A_5 : i32
    %sign3A_7 = arith.extui %sign3A_6 : i1 to i32
    %sign3A_8 = arith.subi %sign3A_4, %sign3A_7 : i32
    %sign3A_9 = arith.constant 0 : i32
    %sign3A_10 = arith.cmpi sgt, %jit3A, %sign3A_9 : i32
    %sign3A_11 = arith.extui %sign3A_10 : i1 to i32
    %sign3A_12 = arith.constant 0 : i32
    %sign3A_13 = arith.cmpi slt, %jit3A, %sign3A_12 : i32
    %sign3A_14 = arith.extui %sign3A_13 : i1 to i32
    %sign3A_15 = arith.subi %sign3A_11, %sign3A_14 : i32
    %ne3A = arith.cmpi ne, %sign3A_8, %sign3A_15 : i32
    %rem3A = arith.remsi %add3A, %jit3A : i32
    %ne3A_16 = arith.constant 0 : i32
    %ne3A_17 = arith.cmpi ne, %rem3A, %ne3A_16 : i32
    %and3A = arith.andi %ne3A, %ne3A_17 : i1
    %sub3A = arith.constant 1 : i32
    %sub3A_18 = arith.subi %div3A, %sub3A : i32
    %select_n3A = arith.select %and3A, %sub3A_18, %div3A : i32
    %mul3A_19 = arith.constant 1024 : i32
    %mul3A_20 = arith.muli %select_n3A, %mul3A_19 : i32
    %jit3A_21 = arith.constant 2 : i32
    %eq3A = arith.constant 0 : i32
    %eq3A_22 = arith.cmpi eq, %jit3A_21, %eq3A : i32
    %jit3A_23 = arith.constant 1 : i32
    %select_n3A_24 = arith.select %eq3A_22, %jit3A_23, %jit3A_21 : i32
    %rem3A_25 = arith.remsi %add3A, %select_n3A_24 : i32
    %ne3A_26 = arith.constant 0 : i32
    %ne3A_27 = arith.cmpi ne, %rem3A_25, %ne3A_26 : i32
    %lt3A = arith.constant 0 : i32
    %lt3A_28 = arith.cmpi slt, %rem3A_25, %lt3A : i32
    %lt3A_29 = arith.constant 0 : i32
    %lt3A_30 = arith.cmpi slt, %select_n3A_24, %lt3A_29 : i32
    %ne3A_31 = arith.xori %lt3A_28, %lt3A_30 : i1
    %and3A_32 = arith.andi %ne3A_31, %ne3A_27 : i1
    %add3A_33 = arith.addi %rem3A_25, %select_n3A_24 : i32
    %select_n3A_34 = arith.select %and3A_32, %add3A_33, %rem3A_25 : i32
    %mul3A_35 = arith.constant 512 : i32
    %mul3A_36 = arith.muli %select_n3A_34, %mul3A_35 : i32
    "tpu.region"() ({
      %run_scoped3A = tpu.sem_alloc : memref<!tpu.dma_semaphore, #tpu.memory_space<semaphore_mem>>
      %dma_start3A_632 = tpu.memref_slice %arg2[%mul3A_20] : memref<16384xi32, #tpu.memory_space<hbm>> -> memref<1024xi32, #tpu.memory_space<hbm>>
      %dma_start3A_633 = tpu.memref_slice %arg2[%mul3A_20] : memref<16384xi32, #tpu.memory_space<hbm>> -> memref<1024xi32, #tpu.memory_space<hbm>>
      tpu.enqueue_dma source(%dma_start3A_633 : memref<1024xi32, #tpu.memory_space<hbm>>) target(%arg5 : memref<1024xi32, #tpu.memory_space<vmem>>) target_semaphore(%run_scoped3A : memref<!tpu.dma_semaphore, #tpu.memory_space<semaphore_mem>>)
      %dma_wait3A_634 = tpu.memref_slice %arg2[%mul3A_20] : memref<16384xi32, #tpu.memory_space<hbm>> -> memref<1024xi32, #tpu.memory_space<hbm>>
      %dma_wait3A_635 = tpu.memref_slice %arg2[%mul3A_20] : memref<16384xi32, #tpu.memory_space<hbm>> -> memref<1024xi32, #tpu.memory_space<hbm>>
      tpu.wait_dma2 semaphore(%run_scoped3A : memref<!tpu.dma_semaphore, #tpu.memory_space<semaphore_mem>>) src(%dma_wait3A_635 : memref<1024xi32, #tpu.memory_space<hbm>>) dst(%arg5 : memref<1024xi32, #tpu.memory_space<vmem>>)
      tpu.yield
    }) : () -> ()
    %dma_start3A = arith.constant 0 : i32
    %dma_start3A_37 = tpu.memref_slice %arg3[%dma_start3A] : memref<16384xf32, #tpu.memory_space<hbm>> -> memref<16384xf32, #tpu.memory_space<hbm>>
    tpu.enqueue_indirect_dma source(%dma_start3A_37 : memref<16384xf32, #tpu.memory_space<hbm>>) target(%arg6 : memref<1024xf32, #tpu.memory_space<vmem>>) offsets(%arg5 : memref<1024xi32, #tpu.memory_space<vmem>>) semaphore(%arg11 : memref<!tpu.dma_semaphore, #tpu.memory_space<semaphore_mem>>)
    %dma_wait3A = arith.constant 0 : i32
    %dma_wait3A_38 = tpu.memref_slice %arg3[%dma_wait3A] : memref<16384xf32, #tpu.memory_space<hbm>> -> memref<16384xf32, #tpu.memory_space<hbm>>
    tpu.wait_indirect_dma semaphore(%arg11 : memref<!tpu.dma_semaphore, #tpu.memory_space<semaphore_mem>>) src(%dma_wait3A_38 : memref<16384xf32, #tpu.memory_space<hbm>>) dst(%arg6 : memref<1024xf32, #tpu.memory_space<vmem>>)
    %get3A = arith.constant 0 : index
    %get3A_39 = tpu.vector_load %arg6[%get3A] {strides = array<i32>} : memref<1024xf32, #tpu.memory_space<vmem>>, vector<16xf32>,
    %get3A_40 = arith.constant 16 : index
    %get3A_41 = tpu.vector_load %arg6[%get3A_40] {strides = array<i32>} : memref<1024xf32, #tpu.memory_space<vmem>>, vector<16xf32>,
    %max3A = arith.maximumf %get3A_39, %get3A_41 : vector<16xf32>
    %get3A_42 = arith.constant 32 : index
    %get3A_43 = tpu.vector_load %arg6[%get3A_42] {strides = array<i32>} : memref<1024xf32, #tpu.memory_space<vmem>>, vector<16xf32>,
    %max3A_44 = arith.maximumf %max3A, %get3A_43 : vector<16xf32>
    %get3A_45 = arith.constant 48 : index
    %get3A_46 = tpu.vector_load %arg6[%get3A_45] {strides = array<i32>} : memref<1024xf32, #tpu.memory_space<vmem>>, vector<16xf32>,
    %max3A_47 = arith.maximumf %max3A_44, %get3A_46 : vector<16xf32>
    %get3A_48 = arith.constant 64 : index
    %get3A_49 = tpu.vector_load %arg6[%get3A_48] {strides = array<i32>} : memref<1024xf32, #tpu.memory_space<vmem>>, vector<16xf32>,
    %max3A_50 = arith.maximumf %max3A_47, %get3A_49 : vector<16xf32>
    %get3A_51 = arith.constant 80 : index
    %get3A_52 = tpu.vector_load %arg6[%get3A_51] {strides = array<i32>} : memref<1024xf32, #tpu.memory_space<vmem>>, vector<16xf32>,
    %max3A_53 = arith.maximumf %max3A_50, %get3A_52 : vector<16xf32>
    %get3A_54 = arith.constant 96 : index
    %get3A_55 = tpu.vector_load %arg6[%get3A_54] {strides = array<i32>} : memref<1024xf32, #tpu.memory_space<vmem>>, vector<16xf32>,
    %max3A_56 = arith.maximumf %max3A_53, %get3A_55 : vector<16xf32>
    %get3A_57 = arith.constant 112 : index
    %get3A_58 = tpu.vector_load %arg6[%get3A_57] {strides = array<i32>} : memref<1024xf32, #tpu.memory_space<vmem>>, vector<16xf32>,
    %max3A_59 = arith.maximumf %max3A_56, %get3A_58 : vector<16xf32>
    %get3A_60 = arith.constant 128 : index
    %get3A_61 = tpu.vector_load %arg6[%get3A_60] {strides = array<i32>} : memref<1024xf32, #tpu.memory_space<vmem>>, vector<16xf32>,
    %max3A_62 = arith.maximumf %max3A_59, %get3A_61 : vector<16xf32>
    %get3A_63 = arith.constant 144 : index
    %get3A_64 = tpu.vector_load %arg6[%get3A_63] {strides = array<i32>} : memref<1024xf32, #tpu.memory_space<vmem>>, vector<16xf32>,
    %max3A_65 = arith.maximumf %max3A_62, %get3A_64 : vector<16xf32>
    %get3A_66 = arith.constant 160 : index
    %get3A_67 = tpu.vector_load %arg6[%get3A_66] {strides = array<i32>} : memref<1024xf32, #tpu.memory_space<vmem>>, vector<16xf32>,
    %max3A_68 = arith.maximumf %max3A_65, %get3A_67 : vector<16xf32>
    %get3A_69 = arith.constant 176 : index
    %get3A_70 = tpu.vector_load %arg6[%get3A_69] {strides = array<i32>} : memref<1024xf32, #tpu.memory_space<vmem>>, vector<16xf32>,
    %max3A_71 = arith.maximumf %max3A_68, %get3A_70 : vector<16xf32>
    %get3A_72 = arith.constant 192 : index
    %get3A_73 = tpu.vector_load %arg6[%get3A_72] {strides = array<i32>} : memref<1024xf32, #tpu.memory_space<vmem>>, vector<16xf32>,
    %max3A_74 = arith.maximumf %max3A_71, %get3A_73 : vector<16xf32>
    %get3A_75 = arith.constant 208 : index
    %get3A_76 = tpu.vector_load %arg6[%get3A_75] {strides = array<i32>} : memref<1024xf32, #tpu.memory_space<vmem>>, vector<16xf32>,
    %max3A_77 = arith.maximumf %max3A_74, %get3A_76 : vector<16xf32>
    %get3A_78 = arith.constant 224 : index
    %get3A_79 = tpu.vector_load %arg6[%get3A_78] {strides = array<i32>} : memref<1024xf32, #tpu.memory_space<vmem>>, vector<16xf32>,
    %max3A_80 = arith.maximumf %max3A_77, %get3A_79 : vector<16xf32>
    %get3A_81 = arith.constant 240 : index
    %get3A_82 = tpu.vector_load %arg6[%get3A_81] {strides = array<i32>} : memref<1024xf32, #tpu.memory_space<vmem>>, vector<16xf32>,
    %max3A_83 = arith.maximumf %max3A_80, %get3A_82 : vector<16xf32>
    %get3A_84 = arith.constant 256 : index
    %get3A_85 = tpu.vector_load %arg6[%get3A_84] {strides = array<i32>} : memref<1024xf32, #tpu.memory_space<vmem>>, vector<16xf32>,
    %max3A_86 = arith.maximumf %max3A_83, %get3A_85 : vector<16xf32>
    %get3A_87 = arith.constant 272 : index
    %get3A_88 = tpu.vector_load %arg6[%get3A_87] {strides = array<i32>} : memref<1024xf32, #tpu.memory_space<vmem>>, vector<16xf32>,
    %max3A_89 = arith.maximumf %max3A_86, %get3A_88 : vector<16xf32>
    %get3A_90 = arith.constant 288 : index
    %get3A_91 = tpu.vector_load %arg6[%get3A_90] {strides = array<i32>} : memref<1024xf32, #tpu.memory_space<vmem>>, vector<16xf32>,
    %max3A_92 = arith.maximumf %max3A_89, %get3A_91 : vector<16xf32>
    %get3A_93 = arith.constant 304 : index
    %get3A_94 = tpu.vector_load %arg6[%get3A_93] {strides = array<i32>} : memref<1024xf32, #tpu.memory_space<vmem>>, vector<16xf32>,
    %max3A_95 = arith.maximumf %max3A_92, %get3A_94 : vector<16xf32>
    %get3A_96 = arith.constant 320 : index
    %get3A_97 = tpu.vector_load %arg6[%get3A_96] {strides = array<i32>} : memref<1024xf32, #tpu.memory_space<vmem>>, vector<16xf32>,
    %max3A_98 = arith.maximumf %max3A_95, %get3A_97 : vector<16xf32>
    %get3A_99 = arith.constant 336 : index
    %get3A_100 = tpu.vector_load %arg6[%get3A_99] {strides = array<i32>} : memref<1024xf32, #tpu.memory_space<vmem>>, vector<16xf32>,
    %max3A_101 = arith.maximumf %max3A_98, %get3A_100 : vector<16xf32>
    %get3A_102 = arith.constant 352 : index
    %get3A_103 = tpu.vector_load %arg6[%get3A_102] {strides = array<i32>} : memref<1024xf32, #tpu.memory_space<vmem>>, vector<16xf32>,
    %max3A_104 = arith.maximumf %max3A_101, %get3A_103 : vector<16xf32>
    %get3A_105 = arith.constant 368 : index
    %get3A_106 = tpu.vector_load %arg6[%get3A_105] {strides = array<i32>} : memref<1024xf32, #tpu.memory_space<vmem>>, vector<16xf32>,
    %max3A_107 = arith.maximumf %max3A_104, %get3A_106 : vector<16xf32>
    %get3A_108 = arith.constant 384 : index
    %get3A_109 = tpu.vector_load %arg6[%get3A_108] {strides = array<i32>} : memref<1024xf32, #tpu.memory_space<vmem>>, vector<16xf32>,
    %max3A_110 = arith.maximumf %max3A_107, %get3A_109 : vector<16xf32>
    %get3A_111 = arith.constant 400 : index
    %get3A_112 = tpu.vector_load %arg6[%get3A_111] {strides = array<i32>} : memref<1024xf32, #tpu.memory_space<vmem>>, vector<16xf32>,
    %max3A_113 = arith.maximumf %max3A_110, %get3A_112 : vector<16xf32>
    %get3A_114 = arith.constant 416 : index
    %get3A_115 = tpu.vector_load %arg6[%get3A_114] {strides = array<i32>} : memref<1024xf32, #tpu.memory_space<vmem>>, vector<16xf32>,
    %max3A_116 = arith.maximumf %max3A_113, %get3A_115 : vector<16xf32>
    %get3A_117 = arith.constant 432 : index
    %get3A_118 = tpu.vector_load %arg6[%get3A_117] {strides = array<i32>} : memref<1024xf32, #tpu.memory_space<vmem>>, vector<16xf32>,
    %max3A_119 = arith.maximumf %max3A_116, %get3A_118 : vector<16xf32>
    %get3A_120 = arith.constant 448 : index
    %get3A_121 = tpu.vector_load %arg6[%get3A_120] {strides = array<i32>} : memref<1024xf32, #tpu.memory_space<vmem>>, vector<16xf32>,
    %max3A_122 = arith.maximumf %max3A_119, %get3A_121 : vector<16xf32>
    %get3A_123 = arith.constant 464 : index
    %get3A_124 = tpu.vector_load %arg6[%get3A_123] {strides = array<i32>} : memref<1024xf32, #tpu.memory_space<vmem>>, vector<16xf32>,
    %max3A_125 = arith.maximumf %max3A_122, %get3A_124 : vector<16xf32>
    %get3A_126 = arith.constant 480 : index
    %get3A_127 = tpu.vector_load %arg6[%get3A_126] {strides = array<i32>} : memref<1024xf32, #tpu.memory_space<vmem>>, vector<16xf32>,
    %max3A_128 = arith.maximumf %max3A_125, %get3A_127 : vector<16xf32>
    %get3A_129 = arith.constant 496 : index
    %get3A_130 = tpu.vector_load %arg6[%get3A_129] {strides = array<i32>} : memref<1024xf32, #tpu.memory_space<vmem>>, vector<16xf32>,
    %max3A_131 = arith.maximumf %max3A_128, %get3A_130 : vector<16xf32>
    %get3A_132 = arith.constant 512 : index
    %get3A_133 = tpu.vector_load %arg6[%get3A_132] {strides = array<i32>} : memref<1024xf32, #tpu.memory_space<vmem>>, vector<16xf32>,
    %max3A_134 = arith.maximumf %max3A_131, %get3A_133 : vector<16xf32>
    %get3A_135 = arith.constant 528 : index
    %get3A_136 = tpu.vector_load %arg6[%get3A_135] {strides = array<i32>} : memref<1024xf32, #tpu.memory_space<vmem>>, vector<16xf32>,
    %max3A_137 = arith.maximumf %max3A_134, %get3A_136 : vector<16xf32>
    %get3A_138 = arith.constant 544 : index
    %get3A_139 = tpu.vector_load %arg6[%get3A_138] {strides = array<i32>} : memref<1024xf32, #tpu.memory_space<vmem>>, vector<16xf32>,
    %max3A_140 = arith.maximumf %max3A_137, %get3A_139 : vector<16xf32>
    %get3A_141 = arith.constant 560 : index
    %get3A_142 = tpu.vector_load %arg6[%get3A_141] {strides = array<i32>} : memref<1024xf32, #tpu.memory_space<vmem>>, vector<16xf32>,
    %max3A_143 = arith.maximumf %max3A_140, %get3A_142 : vector<16xf32>
    %get3A_144 = arith.constant 576 : index
    %get3A_145 = tpu.vector_load %arg6[%get3A_144] {strides = array<i32>} : memref<1024xf32, #tpu.memory_space<vmem>>, vector<16xf32>,
    %max3A_146 = arith.maximumf %max3A_143, %get3A_145 : vector<16xf32>
    %get3A_147 = arith.constant 592 : index
    %get3A_148 = tpu.vector_load %arg6[%get3A_147] {strides = array<i32>} : memref<1024xf32, #tpu.memory_space<vmem>>, vector<16xf32>,
    %max3A_149 = arith.maximumf %max3A_146, %get3A_148 : vector<16xf32>
    %get3A_150 = arith.constant 608 : index
    %get3A_151 = tpu.vector_load %arg6[%get3A_150] {strides = array<i32>} : memref<1024xf32, #tpu.memory_space<vmem>>, vector<16xf32>,
    %max3A_152 = arith.maximumf %max3A_149, %get3A_151 : vector<16xf32>
    %get3A_153 = arith.constant 624 : index
    %get3A_154 = tpu.vector_load %arg6[%get3A_153] {strides = array<i32>} : memref<1024xf32, #tpu.memory_space<vmem>>, vector<16xf32>,
    %max3A_155 = arith.maximumf %max3A_152, %get3A_154 : vector<16xf32>
    %get3A_156 = arith.constant 640 : index
    %get3A_157 = tpu.vector_load %arg6[%get3A_156] {strides = array<i32>} : memref<1024xf32, #tpu.memory_space<vmem>>, vector<16xf32>,
    %max3A_158 = arith.maximumf %max3A_155, %get3A_157 : vector<16xf32>
    %get3A_159 = arith.constant 656 : index
    %get3A_160 = tpu.vector_load %arg6[%get3A_159] {strides = array<i32>} : memref<1024xf32, #tpu.memory_space<vmem>>, vector<16xf32>,
    %max3A_161 = arith.maximumf %max3A_158, %get3A_160 : vector<16xf32>
    %get3A_162 = arith.constant 672 : index
    %get3A_163 = tpu.vector_load %arg6[%get3A_162] {strides = array<i32>} : memref<1024xf32, #tpu.memory_space<vmem>>, vector<16xf32>,
    %max3A_164 = arith.maximumf %max3A_161, %get3A_163 : vector<16xf32>
    %get3A_165 = arith.constant 688 : index
    %get3A_166 = tpu.vector_load %arg6[%get3A_165] {strides = array<i32>} : memref<1024xf32, #tpu.memory_space<vmem>>, vector<16xf32>,
    %max3A_167 = arith.maximumf %max3A_164, %get3A_166 : vector<16xf32>
    %get3A_168 = arith.constant 704 : index
    %get3A_169 = tpu.vector_load %arg6[%get3A_168] {strides = array<i32>} : memref<1024xf32, #tpu.memory_space<vmem>>, vector<16xf32>,
    %max3A_170 = arith.maximumf %max3A_167, %get3A_169 : vector<16xf32>
    %get3A_171 = arith.constant 720 : index
    %get3A_172 = tpu.vector_load %arg6[%get3A_171] {strides = array<i32>} : memref<1024xf32, #tpu.memory_space<vmem>>, vector<16xf32>,
    %max3A_173 = arith.maximumf %max3A_170, %get3A_172 : vector<16xf32>
    %get3A_174 = arith.constant 736 : index
    %get3A_175 = tpu.vector_load %arg6[%get3A_174] {strides = array<i32>} : memref<1024xf32, #tpu.memory_space<vmem>>, vector<16xf32>,
    %max3A_176 = arith.maximumf %max3A_173, %get3A_175 : vector<16xf32>
    %get3A_177 = arith.constant 752 : index
    %get3A_178 = tpu.vector_load %arg6[%get3A_177] {strides = array<i32>} : memref<1024xf32, #tpu.memory_space<vmem>>, vector<16xf32>,
    %max3A_179 = arith.maximumf %max3A_176, %get3A_178 : vector<16xf32>
    %get3A_180 = arith.constant 768 : index
    %get3A_181 = tpu.vector_load %arg6[%get3A_180] {strides = array<i32>} : memref<1024xf32, #tpu.memory_space<vmem>>, vector<16xf32>,
    %max3A_182 = arith.maximumf %max3A_179, %get3A_181 : vector<16xf32>
    %get3A_183 = arith.constant 784 : index
    %get3A_184 = tpu.vector_load %arg6[%get3A_183] {strides = array<i32>} : memref<1024xf32, #tpu.memory_space<vmem>>, vector<16xf32>,
    %max3A_185 = arith.maximumf %max3A_182, %get3A_184 : vector<16xf32>
    %get3A_186 = arith.constant 800 : index
    %get3A_187 = tpu.vector_load %arg6[%get3A_186] {strides = array<i32>} : memref<1024xf32, #tpu.memory_space<vmem>>, vector<16xf32>,
    %max3A_188 = arith.maximumf %max3A_185, %get3A_187 : vector<16xf32>
    %get3A_189 = arith.constant 816 : index
    %get3A_190 = tpu.vector_load %arg6[%get3A_189] {strides = array<i32>} : memref<1024xf32, #tpu.memory_space<vmem>>, vector<16xf32>,
    %max3A_191 = arith.maximumf %max3A_188, %get3A_190 : vector<16xf32>
    %get3A_192 = arith.constant 832 : index
    %get3A_193 = tpu.vector_load %arg6[%get3A_192] {strides = array<i32>} : memref<1024xf32, #tpu.memory_space<vmem>>, vector<16xf32>,
    %max3A_194 = arith.maximumf %max3A_191, %get3A_193 : vector<16xf32>
    %get3A_195 = arith.constant 848 : index
    %get3A_196 = tpu.vector_load %arg6[%get3A_195] {strides = array<i32>} : memref<1024xf32, #tpu.memory_space<vmem>>, vector<16xf32>,
    %max3A_197 = arith.maximumf %max3A_194, %get3A_196 : vector<16xf32>
    %get3A_198 = arith.constant 864 : index
    %get3A_199 = tpu.vector_load %arg6[%get3A_198] {strides = array<i32>} : memref<1024xf32, #tpu.memory_space<vmem>>, vector<16xf32>,
    %max3A_200 = arith.maximumf %max3A_197, %get3A_199 : vector<16xf32>
    %get3A_201 = arith.constant 880 : index
    %get3A_202 = tpu.vector_load %arg6[%get3A_201] {strides = array<i32>} : memref<1024xf32, #tpu.memory_space<vmem>>, vector<16xf32>,
    %max3A_203 = arith.maximumf %max3A_200, %get3A_202 : vector<16xf32>
    %get3A_204 = arith.constant 896 : index
    %get3A_205 = tpu.vector_load %arg6[%get3A_204] {strides = array<i32>} : memref<1024xf32, #tpu.memory_space<vmem>>, vector<16xf32>,
    %max3A_206 = arith.maximumf %max3A_203, %get3A_205 : vector<16xf32>
    %get3A_207 = arith.constant 912 : index
    %get3A_208 = tpu.vector_load %arg6[%get3A_207] {strides = array<i32>} : memref<1024xf32, #tpu.memory_space<vmem>>, vector<16xf32>,
    %max3A_209 = arith.maximumf %max3A_206, %get3A_208 : vector<16xf32>
    %get3A_210 = arith.constant 928 : index
    %get3A_211 = tpu.vector_load %arg6[%get3A_210] {strides = array<i32>} : memref<1024xf32, #tpu.memory_space<vmem>>, vector<16xf32>,
    %max3A_212 = arith.maximumf %max3A_209, %get3A_211 : vector<16xf32>
    %get3A_213 = arith.constant 944 : index
    %get3A_214 = tpu.vector_load %arg6[%get3A_213] {strides = array<i32>} : memref<1024xf32, #tpu.memory_space<vmem>>, vector<16xf32>,
    %max3A_215 = arith.maximumf %max3A_212, %get3A_214 : vector<16xf32>
    %get3A_216 = arith.constant 960 : index
    %get3A_217 = tpu.vector_load %arg6[%get3A_216] {strides = array<i32>} : memref<1024xf32, #tpu.memory_space<vmem>>, vector<16xf32>,
    %max3A_218 = arith.maximumf %max3A_215, %get3A_217 : vector<16xf32>
    %get3A_219 = arith.constant 976 : index
    %get3A_220 = tpu.vector_load %arg6[%get3A_219] {strides = array<i32>} : memref<1024xf32, #tpu.memory_space<vmem>>, vector<16xf32>,
    %max3A_221 = arith.maximumf %max3A_218, %get3A_220 : vector<16xf32>
    %get3A_222 = arith.constant 992 : index
    %get3A_223 = tpu.vector_load %arg6[%get3A_222] {strides = array<i32>} : memref<1024xf32, #tpu.memory_space<vmem>>, vector<16xf32>,
    %max3A_224 = arith.maximumf %max3A_221, %get3A_223 : vector<16xf32>
    %get3A_225 = arith.constant 1008 : index
    %get3A_226 = tpu.vector_load %arg6[%get3A_225] {strides = array<i32>} : memref<1024xf32, #tpu.memory_space<vmem>>, vector<16xf32>,
    %max3A_227 = arith.maximumf %max3A_224, %get3A_226 : vector<16xf32>
    %swap3A = arith.constant 0 : index
    %swap3A_228 = tpu.vector_load %arg8[%swap3A] {strides = array<i32>} : memref<16xf32, #tpu.memory_space<vmem>>, vector<16xf32>,
    tpu.vector_store %arg8[%swap3A], %max3A_227 {strides = array<i32>} : memref<16xf32, #tpu.memory_space<vmem>>, vector<16xf32>,
    %mul3A_229 = arith.constant 16 : i32
    %mul3A_230 = arith.muli %arg1, %mul3A_229 : i32
    "tpu.region"() ({
      %run_scoped3A = tpu.sem_alloc : memref<!tpu.dma_semaphore, #tpu.memory_space<semaphore_mem>>
      %dma_start3A_632 = tpu.memref_slice %arg10[%mul3A_230] : memref<256xf32, #tpu.memory_space<vmem_shared>> -> memref<16xf32, #tpu.memory_space<vmem_shared>>
      %dma_start3A_633 = tpu.memref_slice %arg10[%mul3A_230] : memref<256xf32, #tpu.memory_space<vmem_shared>> -> memref<16xf32, #tpu.memory_space<vmem_shared>>
      tpu.enqueue_dma source(%arg8 : memref<16xf32, #tpu.memory_space<vmem>>) target(%dma_start3A_633 : memref<16xf32, #tpu.memory_space<vmem_shared>>) target_semaphore(%run_scoped3A : memref<!tpu.dma_semaphore, #tpu.memory_space<semaphore_mem>>)
      %dma_wait3A_634 = tpu.memref_slice %arg10[%mul3A_230] : memref<256xf32, #tpu.memory_space<vmem_shared>> -> memref<16xf32, #tpu.memory_space<vmem_shared>>
      %dma_wait3A_635 = tpu.memref_slice %arg10[%mul3A_230] : memref<256xf32, #tpu.memory_space<vmem_shared>> -> memref<16xf32, #tpu.memory_space<vmem_shared>>
      tpu.wait_dma2 semaphore(%run_scoped3A : memref<!tpu.dma_semaphore, #tpu.memory_space<semaphore_mem>>) src(%arg8 : memref<16xf32, #tpu.memory_space<vmem>>) dst(%dma_wait3A_635 : memref<16xf32, #tpu.memory_space<vmem_shared>>)
      tpu.yield
    }) : () -> ()
    %barrier3A = arith.constant 0 : index
    tpu.barrier barrier_id(%barrier3A)
    "tpu.region"() ({
      %run_scoped3A = tpu.sem_alloc : memref<!tpu.dma_semaphore, #tpu.memory_space<semaphore_mem>>
      tpu.enqueue_dma source(%arg10 : memref<256xf32, #tpu.memory_space<vmem_shared>>) target(%arg9 : memref<256xf32, #tpu.memory_space<vmem>>) target_semaphore(%run_scoped3A : memref<!tpu.dma_semaphore, #tpu.memory_space<semaphore_mem>>)
      tpu.wait_dma2 semaphore(%run_scoped3A : memref<!tpu.dma_semaphore, #tpu.memory_space<semaphore_mem>>) src(%arg10 : memref<256xf32, #tpu.memory_space<vmem_shared>>) dst(%arg9 : memref<256xf32, #tpu.memory_space<vmem>>)
      tpu.yield
    }) : () -> ()
    %get3A_231 = arith.constant 0 : index
    %get3A_232 = tpu.vector_load %arg9[%get3A_231] {strides = array<i32>} : memref<256xf32, #tpu.memory_space<vmem>>, vector<16xf32>,
    %get3A_233 = arith.constant 16 : index
    %get3A_234 = tpu.vector_load %arg9[%get3A_233] {strides = array<i32>} : memref<256xf32, #tpu.memory_space<vmem>>, vector<16xf32>,
    %max3A_235 = arith.maximumf %get3A_232, %get3A_234 : vector<16xf32>
    %get3A_236 = arith.constant 32 : index
    %get3A_237 = tpu.vector_load %arg9[%get3A_236] {strides = array<i32>} : memref<256xf32, #tpu.memory_space<vmem>>, vector<16xf32>,
    %max3A_238 = arith.maximumf %max3A_235, %get3A_237 : vector<16xf32>
    %get3A_239 = arith.constant 48 : index
    %get3A_240 = tpu.vector_load %arg9[%get3A_239] {strides = array<i32>} : memref<256xf32, #tpu.memory_space<vmem>>, vector<16xf32>,
    %max3A_241 = arith.maximumf %max3A_238, %get3A_240 : vector<16xf32>
    %get3A_242 = arith.constant 64 : index
    %get3A_243 = tpu.vector_load %arg9[%get3A_242] {strides = array<i32>} : memref<256xf32, #tpu.memory_space<vmem>>, vector<16xf32>,
    %max3A_244 = arith.maximumf %max3A_241, %get3A_243 : vector<16xf32>
    %get3A_245 = arith.constant 80 : index
    %get3A_246 = tpu.vector_load %arg9[%get3A_245] {strides = array<i32>} : memref<256xf32, #tpu.memory_space<vmem>>, vector<16xf32>,
    %max3A_247 = arith.maximumf %max3A_244, %get3A_246 : vector<16xf32>
    %get3A_248 = arith.constant 96 : index
    %get3A_249 = tpu.vector_load %arg9[%get3A_248] {strides = array<i32>} : memref<256xf32, #tpu.memory_space<vmem>>, vector<16xf32>,
    %max3A_250 = arith.maximumf %max3A_247, %get3A_249 : vector<16xf32>
    %get3A_251 = arith.constant 112 : index
    %get3A_252 = tpu.vector_load %arg9[%get3A_251] {strides = array<i32>} : memref<256xf32, #tpu.memory_space<vmem>>, vector<16xf32>,
    %max3A_253 = arith.maximumf %max3A_250, %get3A_252 : vector<16xf32>
    %get3A_254 = arith.constant 128 : index
    %get3A_255 = tpu.vector_load %arg9[%get3A_254] {strides = array<i32>} : memref<256xf32, #tpu.memory_space<vmem>>, vector<16xf32>,
    %max3A_256 = arith.maximumf %max3A_253, %get3A_255 : vector<16xf32>
    %get3A_257 = arith.constant 144 : index
    %get3A_258 = tpu.vector_load %arg9[%get3A_257] {strides = array<i32>} : memref<256xf32, #tpu.memory_space<vmem>>, vector<16xf32>,
    %max3A_259 = arith.maximumf %max3A_256, %get3A_258 : vector<16xf32>
    %get3A_260 = arith.constant 160 : index
    %get3A_261 = tpu.vector_load %arg9[%get3A_260] {strides = array<i32>} : memref<256xf32, #tpu.memory_space<vmem>>, vector<16xf32>,
    %max3A_262 = arith.maximumf %max3A_259, %get3A_261 : vector<16xf32>
    %get3A_263 = arith.constant 176 : index
    %get3A_264 = tpu.vector_load %arg9[%get3A_263] {strides = array<i32>} : memref<256xf32, #tpu.memory_space<vmem>>, vector<16xf32>,
    %max3A_265 = arith.maximumf %max3A_262, %get3A_264 : vector<16xf32>
    %get3A_266 = arith.constant 192 : index
    %get3A_267 = tpu.vector_load %arg9[%get3A_266] {strides = array<i32>} : memref<256xf32, #tpu.memory_space<vmem>>, vector<16xf32>,
    %max3A_268 = arith.maximumf %max3A_265, %get3A_267 : vector<16xf32>
    %get3A_269 = arith.constant 208 : index
    %get3A_270 = tpu.vector_load %arg9[%get3A_269] {strides = array<i32>} : memref<256xf32, #tpu.memory_space<vmem>>, vector<16xf32>,
    %max3A_271 = arith.maximumf %max3A_268, %get3A_270 : vector<16xf32>
    %get3A_272 = arith.constant 224 : index
    %get3A_273 = tpu.vector_load %arg9[%get3A_272] {strides = array<i32>} : memref<256xf32, #tpu.memory_space<vmem>>, vector<16xf32>,
    %max3A_274 = arith.maximumf %max3A_271, %get3A_273 : vector<16xf32>
    %get3A_275 = arith.constant 240 : index
    %get3A_276 = tpu.vector_load %arg9[%get3A_275] {strides = array<i32>} : memref<256xf32, #tpu.memory_space<vmem>>, vector<16xf32>,
    %max3A_277 = arith.maximumf %max3A_274, %get3A_276 : vector<16xf32>
    %reduce_max3A = arith.constant true
    %reduce_max3A_278 = vector.broadcast %reduce_max3A : i1 to vector<16xi1>
    %reduce_max3A_279 = tpu.scan <max>, %max3A_277 masked %reduce_max3A_278 : vector<16xf32>, vector<16xi1> -> vector<16xf32>
    %reduce_max3A_280 = vector.extract %reduce_max3A_279[15] : f32 from vector<16xf32>
    %add3A_281 = arith.constant 0 : i32
    %add3A_282 = arith.addi %mul3A_36, %add3A_281 : i32
    %get3A_283 = arith.index_cast %add3A_282 : i32 to index
    %get3A_284 = tpu.vector_load %arg6[%get3A_283] {strides = array<i32>} : memref<1024xf32, #tpu.memory_space<vmem>>, vector<16xf32>,
    %gt3A = arith.constant 0.000000e+00 : f32
    %gt3A_285 = arith.cmpf ogt, %reduce_max3A_280, %gt3A : f32
    %div3A_286 = vector.broadcast %reduce_max3A_280 : f32 to vector<16xf32>
    %div3A_287 = arith.divf %get3A_284, %div3A_286 : vector<16xf32>
    %select_n3A_288 = arith.select %gt3A_285, %div3A_287, %get3A_284 : vector<16xf32>
    %swap3A_289 = arith.constant 0 : index
    %swap3A_290 = tpu.vector_load %arg7[%swap3A_289] {strides = array<i32>} : memref<512xf32, #tpu.memory_space<vmem>>, vector<16xf32>,
    tpu.vector_store %arg7[%swap3A_289], %select_n3A_288 {strides = array<i32>} : memref<512xf32, #tpu.memory_space<vmem>>, vector<16xf32>,
    %add3A_291 = arith.constant 16 : i32
    %add3A_292 = arith.addi %mul3A_36, %add3A_291 : i32
    %get3A_293 = arith.index_cast %add3A_292 : i32 to index
    %get3A_294 = tpu.vector_load %arg6[%get3A_293] {strides = array<i32>} : memref<1024xf32, #tpu.memory_space<vmem>>, vector<16xf32>,
    %gt3A_295 = arith.constant 0.000000e+00 : f32
    %gt3A_296 = arith.cmpf ogt, %reduce_max3A_280, %gt3A_295 : f32
    %div3A_297 = vector.broadcast %reduce_max3A_280 : f32 to vector<16xf32>
    %div3A_298 = arith.divf %get3A_294, %div3A_297 : vector<16xf32>
    %select_n3A_299 = arith.select %gt3A_296, %div3A_298, %get3A_294 : vector<16xf32>
    %swap3A_300 = arith.constant 16 : index
    %swap3A_301 = tpu.vector_load %arg7[%swap3A_300] {strides = array<i32>} : memref<512xf32, #tpu.memory_space<vmem>>, vector<16xf32>,
    tpu.vector_store %arg7[%swap3A_300], %select_n3A_299 {strides = array<i32>} : memref<512xf32, #tpu.memory_space<vmem>>, vector<16xf32>,
    %add3A_302 = arith.constant 32 : i32
    %add3A_303 = arith.addi %mul3A_36, %add3A_302 : i32
    %get3A_304 = arith.index_cast %add3A_303 : i32 to index
    %get3A_305 = tpu.vector_load %arg6[%get3A_304] {strides = array<i32>} : memref<1024xf32, #tpu.memory_space<vmem>>, vector<16xf32>,
    %gt3A_306 = arith.constant 0.000000e+00 : f32
    %gt3A_307 = arith.cmpf ogt, %reduce_max3A_280, %gt3A_306 : f32
    %div3A_308 = vector.broadcast %reduce_max3A_280 : f32 to vector<16xf32>
    %div3A_309 = arith.divf %get3A_305, %div3A_308 : vector<16xf32>
    %select_n3A_310 = arith.select %gt3A_307, %div3A_309, %get3A_305 : vector<16xf32>
    %swap3A_311 = arith.constant 32 : index
    %swap3A_312 = tpu.vector_load %arg7[%swap3A_311] {strides = array<i32>} : memref<512xf32, #tpu.memory_space<vmem>>, vector<16xf32>,
    tpu.vector_store %arg7[%swap3A_311], %select_n3A_310 {strides = array<i32>} : memref<512xf32, #tpu.memory_space<vmem>>, vector<16xf32>,
    %add3A_313 = arith.constant 48 : i32
    %add3A_314 = arith.addi %mul3A_36, %add3A_313 : i32
    %get3A_315 = arith.index_cast %add3A_314 : i32 to index
    %get3A_316 = tpu.vector_load %arg6[%get3A_315] {strides = array<i32>} : memref<1024xf32, #tpu.memory_space<vmem>>, vector<16xf32>,
    %gt3A_317 = arith.constant 0.000000e+00 : f32
    %gt3A_318 = arith.cmpf ogt, %reduce_max3A_280, %gt3A_317 : f32
    %div3A_319 = vector.broadcast %reduce_max3A_280 : f32 to vector<16xf32>
    %div3A_320 = arith.divf %get3A_316, %div3A_319 : vector<16xf32>
    %select_n3A_321 = arith.select %gt3A_318, %div3A_320, %get3A_316 : vector<16xf32>
    %swap3A_322 = arith.constant 48 : index
    %swap3A_323 = tpu.vector_load %arg7[%swap3A_322] {strides = array<i32>} : memref<512xf32, #tpu.memory_space<vmem>>, vector<16xf32>,
    tpu.vector_store %arg7[%swap3A_322], %select_n3A_321 {strides = array<i32>} : memref<512xf32, #tpu.memory_space<vmem>>, vector<16xf32>,
    %add3A_324 = arith.constant 64 : i32
    %add3A_325 = arith.addi %mul3A_36, %add3A_324 : i32
    %get3A_326 = arith.index_cast %add3A_325 : i32 to index
    %get3A_327 = tpu.vector_load %arg6[%get3A_326] {strides = array<i32>} : memref<1024xf32, #tpu.memory_space<vmem>>, vector<16xf32>,
    %gt3A_328 = arith.constant 0.000000e+00 : f32
    %gt3A_329 = arith.cmpf ogt, %reduce_max3A_280, %gt3A_328 : f32
    %div3A_330 = vector.broadcast %reduce_max3A_280 : f32 to vector<16xf32>
    %div3A_331 = arith.divf %get3A_327, %div3A_330 : vector<16xf32>
    %select_n3A_332 = arith.select %gt3A_329, %div3A_331, %get3A_327 : vector<16xf32>
    %swap3A_333 = arith.constant 64 : index
    %swap3A_334 = tpu.vector_load %arg7[%swap3A_333] {strides = array<i32>} : memref<512xf32, #tpu.memory_space<vmem>>, vector<16xf32>,
    tpu.vector_store %arg7[%swap3A_333], %select_n3A_332 {strides = array<i32>} : memref<512xf32, #tpu.memory_space<vmem>>, vector<16xf32>,
    %add3A_335 = arith.constant 80 : i32
    %add3A_336 = arith.addi %mul3A_36, %add3A_335 : i32
    %get3A_337 = arith.index_cast %add3A_336 : i32 to index
    %get3A_338 = tpu.vector_load %arg6[%get3A_337] {strides = array<i32>} : memref<1024xf32, #tpu.memory_space<vmem>>, vector<16xf32>,
    %gt3A_339 = arith.constant 0.000000e+00 : f32
    %gt3A_340 = arith.cmpf ogt, %reduce_max3A_280, %gt3A_339 : f32
    %div3A_341 = vector.broadcast %reduce_max3A_280 : f32 to vector<16xf32>
    %div3A_342 = arith.divf %get3A_338, %div3A_341 : vector<16xf32>
    %select_n3A_343 = arith.select %gt3A_340, %div3A_342, %get3A_338 : vector<16xf32>
    %swap3A_344 = arith.constant 80 : index
    %swap3A_345 = tpu.vector_load %arg7[%swap3A_344] {strides = array<i32>} : memref<512xf32, #tpu.memory_space<vmem>>, vector<16xf32>,
    tpu.vector_store %arg7[%swap3A_344], %select_n3A_343 {strides = array<i32>} : memref<512xf32, #tpu.memory_space<vmem>>, vector<16xf32>,
    %add3A_346 = arith.constant 96 : i32
    %add3A_347 = arith.addi %mul3A_36, %add3A_346 : i32
    %get3A_348 = arith.index_cast %add3A_347 : i32 to index
    %get3A_349 = tpu.vector_load %arg6[%get3A_348] {strides = array<i32>} : memref<1024xf32, #tpu.memory_space<vmem>>, vector<16xf32>,
    %gt3A_350 = arith.constant 0.000000e+00 : f32
    %gt3A_351 = arith.cmpf ogt, %reduce_max3A_280, %gt3A_350 : f32
    %div3A_352 = vector.broadcast %reduce_max3A_280 : f32 to vector<16xf32>
    %div3A_353 = arith.divf %get3A_349, %div3A_352 : vector<16xf32>
    %select_n3A_354 = arith.select %gt3A_351, %div3A_353, %get3A_349 : vector<16xf32>
    %swap3A_355 = arith.constant 96 : index
    %swap3A_356 = tpu.vector_load %arg7[%swap3A_355] {strides = array<i32>} : memref<512xf32, #tpu.memory_space<vmem>>, vector<16xf32>,
    tpu.vector_store %arg7[%swap3A_355], %select_n3A_354 {strides = array<i32>} : memref<512xf32, #tpu.memory_space<vmem>>, vector<16xf32>,
    %add3A_357 = arith.constant 112 : i32
    %add3A_358 = arith.addi %mul3A_36, %add3A_357 : i32
    %get3A_359 = arith.index_cast %add3A_358 : i32 to index
    %get3A_360 = tpu.vector_load %arg6[%get3A_359] {strides = array<i32>} : memref<1024xf32, #tpu.memory_space<vmem>>, vector<16xf32>,
    %gt3A_361 = arith.constant 0.000000e+00 : f32
    %gt3A_362 = arith.cmpf ogt, %reduce_max3A_280, %gt3A_361 : f32
    %div3A_363 = vector.broadcast %reduce_max3A_280 : f32 to vector<16xf32>
    %div3A_364 = arith.divf %get3A_360, %div3A_363 : vector<16xf32>
    %select_n3A_365 = arith.select %gt3A_362, %div3A_364, %get3A_360 : vector<16xf32>
    %swap3A_366 = arith.constant 112 : index
    %swap3A_367 = tpu.vector_load %arg7[%swap3A_366] {strides = array<i32>} : memref<512xf32, #tpu.memory_space<vmem>>, vector<16xf32>,
    tpu.vector_store %arg7[%swap3A_366], %select_n3A_365 {strides = array<i32>} : memref<512xf32, #tpu.memory_space<vmem>>, vector<16xf32>,
    %add3A_368 = arith.constant 128 : i32
    %add3A_369 = arith.addi %mul3A_36, %add3A_368 : i32
    %get3A_370 = arith.index_cast %add3A_369 : i32 to index
    %get3A_371 = tpu.vector_load %arg6[%get3A_370] {strides = array<i32>} : memref<1024xf32, #tpu.memory_space<vmem>>, vector<16xf32>,
    %gt3A_372 = arith.constant 0.000000e+00 : f32
    %gt3A_373 = arith.cmpf ogt, %reduce_max3A_280, %gt3A_372 : f32
    %div3A_374 = vector.broadcast %reduce_max3A_280 : f32 to vector<16xf32>
    %div3A_375 = arith.divf %get3A_371, %div3A_374 : vector<16xf32>
    %select_n3A_376 = arith.select %gt3A_373, %div3A_375, %get3A_371 : vector<16xf32>
    %swap3A_377 = arith.constant 128 : index
    %swap3A_378 = tpu.vector_load %arg7[%swap3A_377] {strides = array<i32>} : memref<512xf32, #tpu.memory_space<vmem>>, vector<16xf32>,
    tpu.vector_store %arg7[%swap3A_377], %select_n3A_376 {strides = array<i32>} : memref<512xf32, #tpu.memory_space<vmem>>, vector<16xf32>,
    %add3A_379 = arith.constant 144 : i32
    %add3A_380 = arith.addi %mul3A_36, %add3A_379 : i32
    %get3A_381 = arith.index_cast %add3A_380 : i32 to index
    %get3A_382 = tpu.vector_load %arg6[%get3A_381] {strides = array<i32>} : memref<1024xf32, #tpu.memory_space<vmem>>, vector<16xf32>,
    %gt3A_383 = arith.constant 0.000000e+00 : f32
    %gt3A_384 = arith.cmpf ogt, %reduce_max3A_280, %gt3A_383 : f32
    %div3A_385 = vector.broadcast %reduce_max3A_280 : f32 to vector<16xf32>
    %div3A_386 = arith.divf %get3A_382, %div3A_385 : vector<16xf32>
    %select_n3A_387 = arith.select %gt3A_384, %div3A_386, %get3A_382 : vector<16xf32>
    %swap3A_388 = arith.constant 144 : index
    %swap3A_389 = tpu.vector_load %arg7[%swap3A_388] {strides = array<i32>} : memref<512xf32, #tpu.memory_space<vmem>>, vector<16xf32>,
    tpu.vector_store %arg7[%swap3A_388], %select_n3A_387 {strides = array<i32>} : memref<512xf32, #tpu.memory_space<vmem>>, vector<16xf32>,
    %add3A_390 = arith.constant 160 : i32
    %add3A_391 = arith.addi %mul3A_36, %add3A_390 : i32
    %get3A_392 = arith.index_cast %add3A_391 : i32 to index
    %get3A_393 = tpu.vector_load %arg6[%get3A_392] {strides = array<i32>} : memref<1024xf32, #tpu.memory_space<vmem>>, vector<16xf32>,
    %gt3A_394 = arith.constant 0.000000e+00 : f32
    %gt3A_395 = arith.cmpf ogt, %reduce_max3A_280, %gt3A_394 : f32
    %div3A_396 = vector.broadcast %reduce_max3A_280 : f32 to vector<16xf32>
    %div3A_397 = arith.divf %get3A_393, %div3A_396 : vector<16xf32>
    %select_n3A_398 = arith.select %gt3A_395, %div3A_397, %get3A_393 : vector<16xf32>
    %swap3A_399 = arith.constant 160 : index
    %swap3A_400 = tpu.vector_load %arg7[%swap3A_399] {strides = array<i32>} : memref<512xf32, #tpu.memory_space<vmem>>, vector<16xf32>,
    tpu.vector_store %arg7[%swap3A_399], %select_n3A_398 {strides = array<i32>} : memref<512xf32, #tpu.memory_space<vmem>>, vector<16xf32>,
    %add3A_401 = arith.constant 176 : i32
    %add3A_402 = arith.addi %mul3A_36, %add3A_401 : i32
    %get3A_403 = arith.index_cast %add3A_402 : i32 to index
    %get3A_404 = tpu.vector_load %arg6[%get3A_403] {strides = array<i32>} : memref<1024xf32, #tpu.memory_space<vmem>>, vector<16xf32>,
    %gt3A_405 = arith.constant 0.000000e+00 : f32
    %gt3A_406 = arith.cmpf ogt, %reduce_max3A_280, %gt3A_405 : f32
    %div3A_407 = vector.broadcast %reduce_max3A_280 : f32 to vector<16xf32>
    %div3A_408 = arith.divf %get3A_404, %div3A_407 : vector<16xf32>
    %select_n3A_409 = arith.select %gt3A_406, %div3A_408, %get3A_404 : vector<16xf32>
    %swap3A_410 = arith.constant 176 : index
    %swap3A_411 = tpu.vector_load %arg7[%swap3A_410] {strides = array<i32>} : memref<512xf32, #tpu.memory_space<vmem>>, vector<16xf32>,
    tpu.vector_store %arg7[%swap3A_410], %select_n3A_409 {strides = array<i32>} : memref<512xf32, #tpu.memory_space<vmem>>, vector<16xf32>,
    %add3A_412 = arith.constant 192 : i32
    %add3A_413 = arith.addi %mul3A_36, %add3A_412 : i32
    %get3A_414 = arith.index_cast %add3A_413 : i32 to index
    %get3A_415 = tpu.vector_load %arg6[%get3A_414] {strides = array<i32>} : memref<1024xf32, #tpu.memory_space<vmem>>, vector<16xf32>,
    %gt3A_416 = arith.constant 0.000000e+00 : f32
    %gt3A_417 = arith.cmpf ogt, %reduce_max3A_280, %gt3A_416 : f32
    %div3A_418 = vector.broadcast %reduce_max3A_280 : f32 to vector<16xf32>
    %div3A_419 = arith.divf %get3A_415, %div3A_418 : vector<16xf32>
    %select_n3A_420 = arith.select %gt3A_417, %div3A_419, %get3A_415 : vector<16xf32>
    %swap3A_421 = arith.constant 192 : index
    %swap3A_422 = tpu.vector_load %arg7[%swap3A_421] {strides = array<i32>} : memref<512xf32, #tpu.memory_space<vmem>>, vector<16xf32>,
    tpu.vector_store %arg7[%swap3A_421], %select_n3A_420 {strides = array<i32>} : memref<512xf32, #tpu.memory_space<vmem>>, vector<16xf32>,
    %add3A_423 = arith.constant 208 : i32
    %add3A_424 = arith.addi %mul3A_36, %add3A_423 : i32
    %get3A_425 = arith.index_cast %add3A_424 : i32 to index
    %get3A_426 = tpu.vector_load %arg6[%get3A_425] {strides = array<i32>} : memref<1024xf32, #tpu.memory_space<vmem>>, vector<16xf32>,
    %gt3A_427 = arith.constant 0.000000e+00 : f32
    %gt3A_428 = arith.cmpf ogt, %reduce_max3A_280, %gt3A_427 : f32
    %div3A_429 = vector.broadcast %reduce_max3A_280 : f32 to vector<16xf32>
    %div3A_430 = arith.divf %get3A_426, %div3A_429 : vector<16xf32>
    %select_n3A_431 = arith.select %gt3A_428, %div3A_430, %get3A_426 : vector<16xf32>
    %swap3A_432 = arith.constant 208 : index
    %swap3A_433 = tpu.vector_load %arg7[%swap3A_432] {strides = array<i32>} : memref<512xf32, #tpu.memory_space<vmem>>, vector<16xf32>,
    tpu.vector_store %arg7[%swap3A_432], %select_n3A_431 {strides = array<i32>} : memref<512xf32, #tpu.memory_space<vmem>>, vector<16xf32>,
    %add3A_434 = arith.constant 224 : i32
    %add3A_435 = arith.addi %mul3A_36, %add3A_434 : i32
    %get3A_436 = arith.index_cast %add3A_435 : i32 to index
    %get3A_437 = tpu.vector_load %arg6[%get3A_436] {strides = array<i32>} : memref<1024xf32, #tpu.memory_space<vmem>>, vector<16xf32>,
    %gt3A_438 = arith.constant 0.000000e+00 : f32
    %gt3A_439 = arith.cmpf ogt, %reduce_max3A_280, %gt3A_438 : f32
    %div3A_440 = vector.broadcast %reduce_max3A_280 : f32 to vector<16xf32>
    %div3A_441 = arith.divf %get3A_437, %div3A_440 : vector<16xf32>
    %select_n3A_442 = arith.select %gt3A_439, %div3A_441, %get3A_437 : vector<16xf32>
    %swap3A_443 = arith.constant 224 : index
    %swap3A_444 = tpu.vector_load %arg7[%swap3A_443] {strides = array<i32>} : memref<512xf32, #tpu.memory_space<vmem>>, vector<16xf32>,
    tpu.vector_store %arg7[%swap3A_443], %select_n3A_442 {strides = array<i32>} : memref<512xf32, #tpu.memory_space<vmem>>, vector<16xf32>,
    %add3A_445 = arith.constant 240 : i32
    %add3A_446 = arith.addi %mul3A_36, %add3A_445 : i32
    %get3A_447 = arith.index_cast %add3A_446 : i32 to index
    %get3A_448 = tpu.vector_load %arg6[%get3A_447] {strides = array<i32>} : memref<1024xf32, #tpu.memory_space<vmem>>, vector<16xf32>,
    %gt3A_449 = arith.constant 0.000000e+00 : f32
    %gt3A_450 = arith.cmpf ogt, %reduce_max3A_280, %gt3A_449 : f32
    %div3A_451 = vector.broadcast %reduce_max3A_280 : f32 to vector<16xf32>
    %div3A_452 = arith.divf %get3A_448, %div3A_451 : vector<16xf32>
    %select_n3A_453 = arith.select %gt3A_450, %div3A_452, %get3A_448 : vector<16xf32>
    %swap3A_454 = arith.constant 240 : index
    %swap3A_455 = tpu.vector_load %arg7[%swap3A_454] {strides = array<i32>} : memref<512xf32, #tpu.memory_space<vmem>>, vector<16xf32>,
    tpu.vector_store %arg7[%swap3A_454], %select_n3A_453 {strides = array<i32>} : memref<512xf32, #tpu.memory_space<vmem>>, vector<16xf32>,
    %add3A_456 = arith.constant 256 : i32
    %add3A_457 = arith.addi %mul3A_36, %add3A_456 : i32
    %get3A_458 = arith.index_cast %add3A_457 : i32 to index
    %get3A_459 = tpu.vector_load %arg6[%get3A_458] {strides = array<i32>} : memref<1024xf32, #tpu.memory_space<vmem>>, vector<16xf32>,
    %gt3A_460 = arith.constant 0.000000e+00 : f32
    %gt3A_461 = arith.cmpf ogt, %reduce_max3A_280, %gt3A_460 : f32
    %div3A_462 = vector.broadcast %reduce_max3A_280 : f32 to vector<16xf32>
    %div3A_463 = arith.divf %get3A_459, %div3A_462 : vector<16xf32>
    %select_n3A_464 = arith.select %gt3A_461, %div3A_463, %get3A_459 : vector<16xf32>
    %swap3A_465 = arith.constant 256 : index
    %swap3A_466 = tpu.vector_load %arg7[%swap3A_465] {strides = array<i32>} : memref<512xf32, #tpu.memory_space<vmem>>, vector<16xf32>,
    tpu.vector_store %arg7[%swap3A_465], %select_n3A_464 {strides = array<i32>} : memref<512xf32, #tpu.memory_space<vmem>>, vector<16xf32>,
    %add3A_467 = arith.constant 272 : i32
    %add3A_468 = arith.addi %mul3A_36, %add3A_467 : i32
    %get3A_469 = arith.index_cast %add3A_468 : i32 to index
    %get3A_470 = tpu.vector_load %arg6[%get3A_469] {strides = array<i32>} : memref<1024xf32, #tpu.memory_space<vmem>>, vector<16xf32>,
    %gt3A_471 = arith.constant 0.000000e+00 : f32
    %gt3A_472 = arith.cmpf ogt, %reduce_max3A_280, %gt3A_471 : f32
    %div3A_473 = vector.broadcast %reduce_max3A_280 : f32 to vector<16xf32>
    %div3A_474 = arith.divf %get3A_470, %div3A_473 : vector<16xf32>
    %select_n3A_475 = arith.select %gt3A_472, %div3A_474, %get3A_470 : vector<16xf32>
    %swap3A_476 = arith.constant 272 : index
    %swap3A_477 = tpu.vector_load %arg7[%swap3A_476] {strides = array<i32>} : memref<512xf32, #tpu.memory_space<vmem>>, vector<16xf32>,
    tpu.vector_store %arg7[%swap3A_476], %select_n3A_475 {strides = array<i32>} : memref<512xf32, #tpu.memory_space<vmem>>, vector<16xf32>,
    %add3A_478 = arith.constant 288 : i32
    %add3A_479 = arith.addi %mul3A_36, %add3A_478 : i32
    %get3A_480 = arith.index_cast %add3A_479 : i32 to index
    %get3A_481 = tpu.vector_load %arg6[%get3A_480] {strides = array<i32>} : memref<1024xf32, #tpu.memory_space<vmem>>, vector<16xf32>,
    %gt3A_482 = arith.constant 0.000000e+00 : f32
    %gt3A_483 = arith.cmpf ogt, %reduce_max3A_280, %gt3A_482 : f32
    %div3A_484 = vector.broadcast %reduce_max3A_280 : f32 to vector<16xf32>
    %div3A_485 = arith.divf %get3A_481, %div3A_484 : vector<16xf32>
    %select_n3A_486 = arith.select %gt3A_483, %div3A_485, %get3A_481 : vector<16xf32>
    %swap3A_487 = arith.constant 288 : index
    %swap3A_488 = tpu.vector_load %arg7[%swap3A_487] {strides = array<i32>} : memref<512xf32, #tpu.memory_space<vmem>>, vector<16xf32>,
    tpu.vector_store %arg7[%swap3A_487], %select_n3A_486 {strides = array<i32>} : memref<512xf32, #tpu.memory_space<vmem>>, vector<16xf32>,
    %add3A_489 = arith.constant 304 : i32
    %add3A_490 = arith.addi %mul3A_36, %add3A_489 : i32
    %get3A_491 = arith.index_cast %add3A_490 : i32 to index
    %get3A_492 = tpu.vector_load %arg6[%get3A_491] {strides = array<i32>} : memref<1024xf32, #tpu.memory_space<vmem>>, vector<16xf32>,
    %gt3A_493 = arith.constant 0.000000e+00 : f32
    %gt3A_494 = arith.cmpf ogt, %reduce_max3A_280, %gt3A_493 : f32
    %div3A_495 = vector.broadcast %reduce_max3A_280 : f32 to vector<16xf32>
    %div3A_496 = arith.divf %get3A_492, %div3A_495 : vector<16xf32>
    %select_n3A_497 = arith.select %gt3A_494, %div3A_496, %get3A_492 : vector<16xf32>
    %swap3A_498 = arith.constant 304 : index
    %swap3A_499 = tpu.vector_load %arg7[%swap3A_498] {strides = array<i32>} : memref<512xf32, #tpu.memory_space<vmem>>, vector<16xf32>,
    tpu.vector_store %arg7[%swap3A_498], %select_n3A_497 {strides = array<i32>} : memref<512xf32, #tpu.memory_space<vmem>>, vector<16xf32>,
    %add3A_500 = arith.constant 320 : i32
    %add3A_501 = arith.addi %mul3A_36, %add3A_500 : i32
    %get3A_502 = arith.index_cast %add3A_501 : i32 to index
    %get3A_503 = tpu.vector_load %arg6[%get3A_502] {strides = array<i32>} : memref<1024xf32, #tpu.memory_space<vmem>>, vector<16xf32>,
    %gt3A_504 = arith.constant 0.000000e+00 : f32
    %gt3A_505 = arith.cmpf ogt, %reduce_max3A_280, %gt3A_504 : f32
    %div3A_506 = vector.broadcast %reduce_max3A_280 : f32 to vector<16xf32>
    %div3A_507 = arith.divf %get3A_503, %div3A_506 : vector<16xf32>
    %select_n3A_508 = arith.select %gt3A_505, %div3A_507, %get3A_503 : vector<16xf32>
    %swap3A_509 = arith.constant 320 : index
    %swap3A_510 = tpu.vector_load %arg7[%swap3A_509] {strides = array<i32>} : memref<512xf32, #tpu.memory_space<vmem>>, vector<16xf32>,
    tpu.vector_store %arg7[%swap3A_509], %select_n3A_508 {strides = array<i32>} : memref<512xf32, #tpu.memory_space<vmem>>, vector<16xf32>,
    %add3A_511 = arith.constant 336 : i32
    %add3A_512 = arith.addi %mul3A_36, %add3A_511 : i32
    %get3A_513 = arith.index_cast %add3A_512 : i32 to index
    %get3A_514 = tpu.vector_load %arg6[%get3A_513] {strides = array<i32>} : memref<1024xf32, #tpu.memory_space<vmem>>, vector<16xf32>,
    %gt3A_515 = arith.constant 0.000000e+00 : f32
    %gt3A_516 = arith.cmpf ogt, %reduce_max3A_280, %gt3A_515 : f32
    %div3A_517 = vector.broadcast %reduce_max3A_280 : f32 to vector<16xf32>
    %div3A_518 = arith.divf %get3A_514, %div3A_517 : vector<16xf32>
    %select_n3A_519 = arith.select %gt3A_516, %div3A_518, %get3A_514 : vector<16xf32>
    %swap3A_520 = arith.constant 336 : index
    %swap3A_521 = tpu.vector_load %arg7[%swap3A_520] {strides = array<i32>} : memref<512xf32, #tpu.memory_space<vmem>>, vector<16xf32>,
    tpu.vector_store %arg7[%swap3A_520], %select_n3A_519 {strides = array<i32>} : memref<512xf32, #tpu.memory_space<vmem>>, vector<16xf32>,
    %add3A_522 = arith.constant 352 : i32
    %add3A_523 = arith.addi %mul3A_36, %add3A_522 : i32
    %get3A_524 = arith.index_cast %add3A_523 : i32 to index
    %get3A_525 = tpu.vector_load %arg6[%get3A_524] {strides = array<i32>} : memref<1024xf32, #tpu.memory_space<vmem>>, vector<16xf32>,
    %gt3A_526 = arith.constant 0.000000e+00 : f32
    %gt3A_527 = arith.cmpf ogt, %reduce_max3A_280, %gt3A_526 : f32
    %div3A_528 = vector.broadcast %reduce_max3A_280 : f32 to vector<16xf32>
    %div3A_529 = arith.divf %get3A_525, %div3A_528 : vector<16xf32>
    %select_n3A_530 = arith.select %gt3A_527, %div3A_529, %get3A_525 : vector<16xf32>
    %swap3A_531 = arith.constant 352 : index
    %swap3A_532 = tpu.vector_load %arg7[%swap3A_531] {strides = array<i32>} : memref<512xf32, #tpu.memory_space<vmem>>, vector<16xf32>,
    tpu.vector_store %arg7[%swap3A_531], %select_n3A_530 {strides = array<i32>} : memref<512xf32, #tpu.memory_space<vmem>>, vector<16xf32>,
    %add3A_533 = arith.constant 368 : i32
    %add3A_534 = arith.addi %mul3A_36, %add3A_533 : i32
    %get3A_535 = arith.index_cast %add3A_534 : i32 to index
    %get3A_536 = tpu.vector_load %arg6[%get3A_535] {strides = array<i32>} : memref<1024xf32, #tpu.memory_space<vmem>>, vector<16xf32>,
    %gt3A_537 = arith.constant 0.000000e+00 : f32
    %gt3A_538 = arith.cmpf ogt, %reduce_max3A_280, %gt3A_537 : f32
    %div3A_539 = vector.broadcast %reduce_max3A_280 : f32 to vector<16xf32>
    %div3A_540 = arith.divf %get3A_536, %div3A_539 : vector<16xf32>
    %select_n3A_541 = arith.select %gt3A_538, %div3A_540, %get3A_536 : vector<16xf32>
    %swap3A_542 = arith.constant 368 : index
    %swap3A_543 = tpu.vector_load %arg7[%swap3A_542] {strides = array<i32>} : memref<512xf32, #tpu.memory_space<vmem>>, vector<16xf32>,
    tpu.vector_store %arg7[%swap3A_542], %select_n3A_541 {strides = array<i32>} : memref<512xf32, #tpu.memory_space<vmem>>, vector<16xf32>,
    %add3A_544 = arith.constant 384 : i32
    %add3A_545 = arith.addi %mul3A_36, %add3A_544 : i32
    %get3A_546 = arith.index_cast %add3A_545 : i32 to index
    %get3A_547 = tpu.vector_load %arg6[%get3A_546] {strides = array<i32>} : memref<1024xf32, #tpu.memory_space<vmem>>, vector<16xf32>,
    %gt3A_548 = arith.constant 0.000000e+00 : f32
    %gt3A_549 = arith.cmpf ogt, %reduce_max3A_280, %gt3A_548 : f32
    %div3A_550 = vector.broadcast %reduce_max3A_280 : f32 to vector<16xf32>
    %div3A_551 = arith.divf %get3A_547, %div3A_550 : vector<16xf32>
    %select_n3A_552 = arith.select %gt3A_549, %div3A_551, %get3A_547 : vector<16xf32>
    %swap3A_553 = arith.constant 384 : index
    %swap3A_554 = tpu.vector_load %arg7[%swap3A_553] {strides = array<i32>} : memref<512xf32, #tpu.memory_space<vmem>>, vector<16xf32>,
    tpu.vector_store %arg7[%swap3A_553], %select_n3A_552 {strides = array<i32>} : memref<512xf32, #tpu.memory_space<vmem>>, vector<16xf32>,
    %add3A_555 = arith.constant 400 : i32
    %add3A_556 = arith.addi %mul3A_36, %add3A_555 : i32
    %get3A_557 = arith.index_cast %add3A_556 : i32 to index
    %get3A_558 = tpu.vector_load %arg6[%get3A_557] {strides = array<i32>} : memref<1024xf32, #tpu.memory_space<vmem>>, vector<16xf32>,
    %gt3A_559 = arith.constant 0.000000e+00 : f32
    %gt3A_560 = arith.cmpf ogt, %reduce_max3A_280, %gt3A_559 : f32
    %div3A_561 = vector.broadcast %reduce_max3A_280 : f32 to vector<16xf32>
    %div3A_562 = arith.divf %get3A_558, %div3A_561 : vector<16xf32>
    %select_n3A_563 = arith.select %gt3A_560, %div3A_562, %get3A_558 : vector<16xf32>
    %swap3A_564 = arith.constant 400 : index
    %swap3A_565 = tpu.vector_load %arg7[%swap3A_564] {strides = array<i32>} : memref<512xf32, #tpu.memory_space<vmem>>, vector<16xf32>,
    tpu.vector_store %arg7[%swap3A_564], %select_n3A_563 {strides = array<i32>} : memref<512xf32, #tpu.memory_space<vmem>>, vector<16xf32>,
    %add3A_566 = arith.constant 416 : i32
    %add3A_567 = arith.addi %mul3A_36, %add3A_566 : i32
    %get3A_568 = arith.index_cast %add3A_567 : i32 to index
    %get3A_569 = tpu.vector_load %arg6[%get3A_568] {strides = array<i32>} : memref<1024xf32, #tpu.memory_space<vmem>>, vector<16xf32>,
    %gt3A_570 = arith.constant 0.000000e+00 : f32
    %gt3A_571 = arith.cmpf ogt, %reduce_max3A_280, %gt3A_570 : f32
    %div3A_572 = vector.broadcast %reduce_max3A_280 : f32 to vector<16xf32>
    %div3A_573 = arith.divf %get3A_569, %div3A_572 : vector<16xf32>
    %select_n3A_574 = arith.select %gt3A_571, %div3A_573, %get3A_569 : vector<16xf32>
    %swap3A_575 = arith.constant 416 : index
    %swap3A_576 = tpu.vector_load %arg7[%swap3A_575] {strides = array<i32>} : memref<512xf32, #tpu.memory_space<vmem>>, vector<16xf32>,
    tpu.vector_store %arg7[%swap3A_575], %select_n3A_574 {strides = array<i32>} : memref<512xf32, #tpu.memory_space<vmem>>, vector<16xf32>,
    %add3A_577 = arith.constant 432 : i32
    %add3A_578 = arith.addi %mul3A_36, %add3A_577 : i32
    %get3A_579 = arith.index_cast %add3A_578 : i32 to index
    %get3A_580 = tpu.vector_load %arg6[%get3A_579] {strides = array<i32>} : memref<1024xf32, #tpu.memory_space<vmem>>, vector<16xf32>,
    %gt3A_581 = arith.constant 0.000000e+00 : f32
    %gt3A_582 = arith.cmpf ogt, %reduce_max3A_280, %gt3A_581 : f32
    %div3A_583 = vector.broadcast %reduce_max3A_280 : f32 to vector<16xf32>
    %div3A_584 = arith.divf %get3A_580, %div3A_583 : vector<16xf32>
    %select_n3A_585 = arith.select %gt3A_582, %div3A_584, %get3A_580 : vector<16xf32>
    %swap3A_586 = arith.constant 432 : index
    %swap3A_587 = tpu.vector_load %arg7[%swap3A_586] {strides = array<i32>} : memref<512xf32, #tpu.memory_space<vmem>>, vector<16xf32>,
    tpu.vector_store %arg7[%swap3A_586], %select_n3A_585 {strides = array<i32>} : memref<512xf32, #tpu.memory_space<vmem>>, vector<16xf32>,
    %add3A_588 = arith.constant 448 : i32
    %add3A_589 = arith.addi %mul3A_36, %add3A_588 : i32
    %get3A_590 = arith.index_cast %add3A_589 : i32 to index
    %get3A_591 = tpu.vector_load %arg6[%get3A_590] {strides = array<i32>} : memref<1024xf32, #tpu.memory_space<vmem>>, vector<16xf32>,
    %gt3A_592 = arith.constant 0.000000e+00 : f32
    %gt3A_593 = arith.cmpf ogt, %reduce_max3A_280, %gt3A_592 : f32
    %div3A_594 = vector.broadcast %reduce_max3A_280 : f32 to vector<16xf32>
    %div3A_595 = arith.divf %get3A_591, %div3A_594 : vector<16xf32>
    %select_n3A_596 = arith.select %gt3A_593, %div3A_595, %get3A_591 : vector<16xf32>
    %swap3A_597 = arith.constant 448 : index
    %swap3A_598 = tpu.vector_load %arg7[%swap3A_597] {strides = array<i32>} : memref<512xf32, #tpu.memory_space<vmem>>, vector<16xf32>,
    tpu.vector_store %arg7[%swap3A_597], %select_n3A_596 {strides = array<i32>} : memref<512xf32, #tpu.memory_space<vmem>>, vector<16xf32>,
    %add3A_599 = arith.constant 464 : i32
    %add3A_600 = arith.addi %mul3A_36, %add3A_599 : i32
    %get3A_601 = arith.index_cast %add3A_600 : i32 to index
    %get3A_602 = tpu.vector_load %arg6[%get3A_601] {strides = array<i32>} : memref<1024xf32, #tpu.memory_space<vmem>>, vector<16xf32>,
    %gt3A_603 = arith.constant 0.000000e+00 : f32
    %gt3A_604 = arith.cmpf ogt, %reduce_max3A_280, %gt3A_603 : f32
    %div3A_605 = vector.broadcast %reduce_max3A_280 : f32 to vector<16xf32>
    %div3A_606 = arith.divf %get3A_602, %div3A_605 : vector<16xf32>
    %select_n3A_607 = arith.select %gt3A_604, %div3A_606, %get3A_602 : vector<16xf32>
    %swap3A_608 = arith.constant 464 : index
    %swap3A_609 = tpu.vector_load %arg7[%swap3A_608] {strides = array<i32>} : memref<512xf32, #tpu.memory_space<vmem>>, vector<16xf32>,
    tpu.vector_store %arg7[%swap3A_608], %select_n3A_607 {strides = array<i32>} : memref<512xf32, #tpu.memory_space<vmem>>, vector<16xf32>,
    %add3A_610 = arith.constant 480 : i32
    %add3A_611 = arith.addi %mul3A_36, %add3A_610 : i32
    %get3A_612 = arith.index_cast %add3A_611 : i32 to index
    %get3A_613 = tpu.vector_load %arg6[%get3A_612] {strides = array<i32>} : memref<1024xf32, #tpu.memory_space<vmem>>, vector<16xf32>,
    %gt3A_614 = arith.constant 0.000000e+00 : f32
    %gt3A_615 = arith.cmpf ogt, %reduce_max3A_280, %gt3A_614 : f32
    %div3A_616 = vector.broadcast %reduce_max3A_280 : f32 to vector<16xf32>
    %div3A_617 = arith.divf %get3A_613, %div3A_616 : vector<16xf32>
    %select_n3A_618 = arith.select %gt3A_615, %div3A_617, %get3A_613 : vector<16xf32>
    %swap3A_619 = arith.constant 480 : index
    %swap3A_620 = tpu.vector_load %arg7[%swap3A_619] {strides = array<i32>} : memref<512xf32, #tpu.memory_space<vmem>>, vector<16xf32>,
    tpu.vector_store %arg7[%swap3A_619], %select_n3A_618 {strides = array<i32>} : memref<512xf32, #tpu.memory_space<vmem>>, vector<16xf32>,
    %add3A_621 = arith.constant 496 : i32
    %add3A_622 = arith.addi %mul3A_36, %add3A_621 : i32
    %get3A_623 = arith.index_cast %add3A_622 : i32 to index
    %get3A_624 = tpu.vector_load %arg6[%get3A_623] {strides = array<i32>} : memref<1024xf32, #tpu.memory_space<vmem>>, vector<16xf32>,
    %gt3A_625 = arith.constant 0.000000e+00 : f32
    %gt3A_626 = arith.cmpf ogt, %reduce_max3A_280, %gt3A_625 : f32
    %div3A_627 = vector.broadcast %reduce_max3A_280 : f32 to vector<16xf32>
    %div3A_628 = arith.divf %get3A_624, %div3A_627 : vector<16xf32>
    %select_n3A_629 = arith.select %gt3A_626, %div3A_628, %get3A_624 : vector<16xf32>
    %swap3A_630 = arith.constant 496 : index
    %swap3A_631 = tpu.vector_load %arg7[%swap3A_630] {strides = array<i32>} : memref<512xf32, #tpu.memory_space<vmem>>, vector<16xf32>,
    tpu.vector_store %arg7[%swap3A_630], %select_n3A_629 {strides = array<i32>} : memref<512xf32, #tpu.memory_space<vmem>>, vector<16xf32>,
    "tpu.region"() ({
      %run_scoped3A = tpu.sem_alloc : memref<!tpu.dma_semaphore, #tpu.memory_space<semaphore_mem>>
      %dma_start3A_632 = tpu.memref_slice %arg4[%mul3A_2] : memref<16384xf32, #tpu.memory_space<hbm>> -> memref<512xf32, #tpu.memory_space<hbm>>
      %dma_start3A_633 = tpu.memref_slice %arg4[%mul3A_2] : memref<16384xf32, #tpu.memory_space<hbm>> -> memref<512xf32, #tpu.memory_space<hbm>>
      tpu.enqueue_dma source(%arg7 : memref<512xf32, #tpu.memory_space<vmem>>) target(%dma_start3A_633 : memref<512xf32, #tpu.memory_space<hbm>>) target_semaphore(%run_scoped3A : memref<!tpu.dma_semaphore, #tpu.memory_space<semaphore_mem>>)
      %dma_wait3A_634 = tpu.memref_slice %arg4[%mul3A_2] : memref<16384xf32, #tpu.memory_space<hbm>> -> memref<512xf32, #tpu.memory_space<hbm>>
      %dma_wait3A_635 = tpu.memref_slice %arg4[%mul3A_2] : memref<16384xf32, #tpu.memory_space<hbm>> -> memref<512xf32, #tpu.memory_space<hbm>>
      tpu.wait_dma2 semaphore(%run_scoped3A : memref<!tpu.dma_semaphore, #tpu.memory_space<semaphore_mem>>) src(%arg7 : memref<512xf32, #tpu.memory_space<vmem>>) dst(%dma_wait3A_635 : memref<512xf32, #tpu.memory_space<hbm>>)
      tpu.yield
    }) : () -> ()
    return
  }
}

#map = affine_map<(d0, d1) -> (0, 0)>
#map1 = affine_map<(d0, d1) -> (0)>
module attributes {stable_mosaic.version = 14 : i64} {
  func.func @sc_gather(%arg0: i32, %arg1: i32, %arg2: memref<16384x16xf32, #tpu.memory_space<hbm>>, %arg3: memref<16384xi32, #tpu.memory_space<hbm>>, %arg4: memref<16384x16xf32, #tpu.memory_space<hbm>>, %arg5: memref<512xi32, #tpu.memory_space<vmem>>, %arg6: memref<512x16xf32, #tpu.memory_space<vmem>>, %arg7: memref<!tpu.dma_semaphore, #tpu.memory_space<semaphore_mem>>) attributes {dimension_semantics = [#tpu.dimension_semantics<core_parallel>, #tpu.dimension_semantics<subcore_parallel>], iteration_bounds = array<i64: 2, 16>, scalar_prefetch = 0 : i64, scratch_operands = 3 : i64, tpu.core_type = #tpu.core_type<sc_vector_subcore>, window_params = [{transform_indices = #map}, {transform_indices = #map1}, {transform_indices = #map}]} {
    %mul3A = arith.constant 2 : i32
    %mul3A_0 = arith.muli %arg1, %mul3A : i32
    %add3A = arith.addi %mul3A_0, %arg0 : i32
    %mul3A_1 = arith.constant 512 : i32
    %mul3A_2 = arith.muli %add3A, %mul3A_1 : i32
    "tpu.region"() ({
      %run_scoped3A = tpu.sem_alloc : memref<!tpu.dma_semaphore, #tpu.memory_space<semaphore_mem>>
      %dma_start3A_7 = tpu.memref_slice %arg3[%mul3A_2] : memref<16384xi32, #tpu.memory_space<hbm>> -> memref<512xi32, #tpu.memory_space<hbm>>
      %dma_start3A_8 = tpu.memref_slice %arg3[%mul3A_2] : memref<16384xi32, #tpu.memory_space<hbm>> -> memref<512xi32, #tpu.memory_space<hbm>>
      tpu.enqueue_dma source(%dma_start3A_8 : memref<512xi32, #tpu.memory_space<hbm>>) target(%arg5 : memref<512xi32, #tpu.memory_space<vmem>>) target_semaphore(%run_scoped3A : memref<!tpu.dma_semaphore, #tpu.memory_space<semaphore_mem>>)
      %dma_wait3A_9 = tpu.memref_slice %arg3[%mul3A_2] : memref<16384xi32, #tpu.memory_space<hbm>> -> memref<512xi32, #tpu.memory_space<hbm>>
      %dma_wait3A_10 = tpu.memref_slice %arg3[%mul3A_2] : memref<16384xi32, #tpu.memory_space<hbm>> -> memref<512xi32, #tpu.memory_space<hbm>>
      tpu.wait_dma2 semaphore(%run_scoped3A : memref<!tpu.dma_semaphore, #tpu.memory_space<semaphore_mem>>) src(%dma_wait3A_10 : memref<512xi32, #tpu.memory_space<hbm>>) dst(%arg5 : memref<512xi32, #tpu.memory_space<vmem>>)
      tpu.yield
    }) : () -> ()
    %dma_start3A = arith.constant 0 : i32
    %dma_start3A_3 = arith.constant 0 : i32
    %dma_start3A_4 = tpu.memref_slice %arg2[%dma_start3A, %dma_start3A_3] : memref<16384x16xf32, #tpu.memory_space<hbm>> -> memref<16384x16xf32, #tpu.memory_space<hbm>>
    tpu.enqueue_indirect_dma source(%dma_start3A_4 : memref<16384x16xf32, #tpu.memory_space<hbm>>) target(%arg6 : memref<512x16xf32, #tpu.memory_space<vmem>>) offsets(%arg5 : memref<512xi32, #tpu.memory_space<vmem>>) semaphore(%arg7 : memref<!tpu.dma_semaphore, #tpu.memory_space<semaphore_mem>>)
    %dma_wait3A = arith.constant 0 : i32
    %dma_wait3A_5 = arith.constant 0 : i32
    %dma_wait3A_6 = tpu.memref_slice %arg2[%dma_wait3A, %dma_wait3A_5] : memref<16384x16xf32, #tpu.memory_space<hbm>> -> memref<16384x16xf32, #tpu.memory_space<hbm>>
    tpu.wait_indirect_dma semaphore(%arg7 : memref<!tpu.dma_semaphore, #tpu.memory_space<semaphore_mem>>) src(%dma_wait3A_6 : memref<16384x16xf32, #tpu.memory_space<hbm>>) dst(%arg6 : memref<512x16xf32, #tpu.memory_space<vmem>>)
    "tpu.region"() ({
      %run_scoped3A = tpu.sem_alloc : memref<!tpu.dma_semaphore, #tpu.memory_space<semaphore_mem>>
      %dma_start3A_7 = arith.constant 0 : i32
      %dma_start3A_8 = tpu.memref_slice %arg4[%mul3A_2, %dma_start3A_7] : memref<16384x16xf32, #tpu.memory_space<hbm>> -> memref<512x16xf32, #tpu.memory_space<hbm>>
      %dma_start3A_9 = arith.constant 0 : i32
      %dma_start3A_10 = tpu.memref_slice %arg4[%mul3A_2, %dma_start3A_9] : memref<16384x16xf32, #tpu.memory_space<hbm>> -> memref<512x16xf32, #tpu.memory_space<hbm>>
      tpu.enqueue_dma source(%arg6 : memref<512x16xf32, #tpu.memory_space<vmem>>) target(%dma_start3A_10 : memref<512x16xf32, #tpu.memory_space<hbm>>) target_semaphore(%run_scoped3A : memref<!tpu.dma_semaphore, #tpu.memory_space<semaphore_mem>>)
      %dma_wait3A_11 = arith.constant 0 : i32
      %dma_wait3A_12 = tpu.memref_slice %arg4[%mul3A_2, %dma_wait3A_11] : memref<16384x16xf32, #tpu.memory_space<hbm>> -> memref<512x16xf32, #tpu.memory_space<hbm>>
      %dma_wait3A_13 = arith.constant 0 : i32
      %dma_wait3A_14 = tpu.memref_slice %arg4[%mul3A_2, %dma_wait3A_13] : memref<16384x16xf32, #tpu.memory_space<hbm>> -> memref<512x16xf32, #tpu.memory_space<hbm>>
      tpu.wait_dma2 semaphore(%run_scoped3A : memref<!tpu.dma_semaphore, #tpu.memory_space<semaphore_mem>>) src(%arg6 : memref<512x16xf32, #tpu.memory_space<vmem>>) dst(%dma_wait3A_14 : memref<512x16xf32, #tpu.memory_space<hbm>>)
      tpu.yield
    }) : () -> ()
    return
  }
}

module attributes {stable_mosaic.version = 14 : i64} {
  func.func @_rowsum_body(%arg0: i32, %arg1: memref<256x16384xf32, #tpu.memory_space<vmem>>, %arg2: memref<256x1xf32, #tpu.memory_space<vmem>>) attributes {dimension_semantics = [#tpu.dimension_semantics<arbitrary>], iteration_bounds = array<i64: 64>, scalar_prefetch = 0 : i64, scratch_operands = 0 : i64, tpu.core_type = #tpu.core_type<tc>, window_params = [{transform_indices = @transform_0, window_bounds = array<i64: 256, 16384>}, {transform_indices = @transform_1, window_bounds = array<i64: 256, 1>}]} {
    %get3A = arith.constant 0 : index
    %get3A_0 = arith.constant 0 : index
    %get3A_1 = vector.load %arg1[%get3A, %get3A_0] : memref<256x16384xf32, #tpu.memory_space<vmem>>, vector<256x16384xf32>
    %reduce_sum3A = arith.constant dense<0.000000e+00> : vector<256xf32>
    %reduce_sum3A_2 = vector.multi_reduction <add>, %get3A_1, %reduce_sum3A [1] : vector<256x16384xf32> to vector<256xf32>
    %broadcast_in_dim3A = vector.shape_cast %reduce_sum3A_2 : vector<256xf32> to vector<256x1xf32>
    %swap3A = arith.constant 0 : index
    %swap3A_3 = arith.constant 0 : index
    %swap3A_4 = vector.load %arg2[%swap3A, %swap3A_3] : memref<256x1xf32, #tpu.memory_space<vmem>>, vector<256x1xf32>
    tpu.vector_store %arg2[%swap3A, %swap3A_3], %broadcast_in_dim3A {strides = array<i32>} : memref<256x1xf32, #tpu.memory_space<vmem>>, vector<256x1xf32>,
    return
  }
  func.func @transform_0(%arg0: i32) -> (i32, i32) {
    %c0_i32 = arith.constant 0 : i32
    %c0_i32_0 = arith.constant 0 : i32
    return %arg0, %c0_i32 : i32, i32
  }
  func.func @transform_1(%arg0: i32) -> (i32, i32) {
    %c0_i32 = arith.constant 0 : i32
    %c0_i32_0 = arith.constant 0 : i32
    return %arg0, %c0_i32 : i32, i32
  }
}

</mosaic_0001>

<sc_bundles>
// kernel: kernel.5.cloned.1.call-start
scs
__scs_entry_jumppad:
0x0: {  	(pc) =	sbr.rel $0x88, $3  }
0x1: {  	(tag) =	ssettag $0x0;
	lr =	simm.s32 $0x1  }
0x2: {  	[smem:$0x3F9E] =	sst lr;
	_ =	strace $0xD0000000  }
0x3: {  	_ = 	snop  }
0x4: {  	_ = 	snop  }
0x5: {  	_ = 	snop  }
0x6: {  	_ = 	snop  }
0x7: {  	_ = 	snop  }
__scs_overlays_trampoline_lowered:
0x8: {  	[smem:$0x3FAD] =	sst s0  }
0x9: {  	[smem:$0x3FAE] =	sst s1  }
0xa: {  	[smem:$0x3FAF] =	sst s2  }
0xb: {  	[smem:$0x3FB0] =	sst s3  }
0xc: {  	[smem:$0x3FB1] =	sst s4  }
0xd: {  	[smem:$0x3FB2] =	sst s5  }
0xe: {  	[smem:$0x3FB3] =	sst s6  }
0xf: {  	[smem:$0x3FB4] =	sst s7  }
0x10: {  	[smem:$0x3FB5] =	sst s8  }
0x11: {  	[smem:$0x3FB6] =	sst s9;
	s0 =	simm.s32 @!p0 $0x0  }
0x12: {  	s1 =	sld [smem:$0x3F9C];
	s0 =	simm.s32 @p0 $0x1  }
0x13: {  	[smem:$0x3FB7] =	sst s0;
	s0 =	simm.s32 @!p1 $0x0  }
0x14: {  	s2 =	sld [smem:$0x3F9B];
	s0 =	simm.s32 @p1 $0x1  }
0x15: {  	[smem:$0x3FB8] =	sst s0;
	s0 =	simm.s32 @!p2 $0x0  }
0x16: {  	s3 =	sld [smem:$0x3FDB];
	s0 =	simm.s32 @p2 $0x1  }
0x17: {  	s4 =	simm.s32 $0x1BF5;
	[smem:$0x3FBA] =	sst s0  }
0x18: {  	s0 =	sld [smem:$0x3F9D];
	_ =	swait.ge [sflag:s4], $0x0  }
0x19: {  	s7 =	sld [smem:$0x3F9E]  }
0x1a: {  	s8 =	sadd.s32 $0xFFFFE003, lr  }
0x1b: {  	s9 =	sadd.s32 $0xFFFFFEF7, lr;
	s5 =	simm.s32 $0xFFFFFFFF;
	p2 =	slt.u32 s8, $0xFFFFF086  }
0x1c: {  	p1 =	slt.u32 s9, $0xF7A;
	s5 =	simm.s32 @!p2 $0x0  }
0x1d: {  	s5 =	simm.s32 @p1 $0x1;
	p0 =	seq.s32 s7, s2  }
0x1e: {  	s7 =	smul.u32 @!p0 $0xF7A, s2;
	p2 =	seq.s32 @!p0 s5, $0x0  }
0x1f: {  	s9 =	smul.u32 $0xF7A, s1;
	s8 =	simm.s32 @!p0 $0x1BF5;
	p2 =	por !p2, p0  }
0x20: {  	[sflag:s8] =	ssyncset.s32 @!p0 $0xFFFFF086;
	s6 =	sadd.s32 @!p0 s3, s7;
	s7 =	simm.s32 @!p0 $0x108  }
0x21: {  	s3 =	sadd.s32 s3, s9;
	s6 =	sadd.s32 @!p0 $0x88, s6;
	s7 =	simm.s32 @p2 $0x1082  }
0x22: {  	[simem:s7], [sflag:s8] =	dma.local @!p0 [hbm:s6], $0xF7A  }
0x23: {  	s9 =	sor.u32 $0xD0000000, s2;
	s6 =	simm.s32 $0x108;
	_ =	swait.ge @!p0 [sflag:s8], $0x0  }
0x24: {  	s3 =	sadd.s32 $0x88, s3;
	s6 =	simm.s32 @!p1 $0x1082;
	[sflag:s4] =	ssyncset.s32 $0xFFFFF086  }
0x25: {  	[simem:s6], [sflag:s4] =	dma.local [hbm:s3], $0xF7A  }
0x26: {  	[smem:$0x3F9E] =	sst s1;
	(tag) =	ssettag s2;
	_ =	strace s9  }
0x27: {  	s1 =	sld [smem:$0x3FAE]  }
0x28: {  	s2 =	sld [smem:$0x3FAF]  }
0x29: {  	s4 =	sld [smem:$0x3FB1]  }
0x2a: {  	p0 =	seq.s32 s5, $0x0;
	s5 =	sld [smem:$0x3FB2]  }
0x2b: {  	s6 =	sld [smem:$0x3FB3]  }
0x2c: {  	s7 =	sld [smem:$0x3FB4]  }
0x2d: {  	s3 =	simm.s32 $0x108;
	s8 =	sld [smem:$0x3FB5]  }
0x2e: {  	s3 =	simm.s32 @!p0 $0x1082;
	s9 =	sld [smem:$0x3FB6]  }
0x2f: {  	lr =	sadd.s32 s0, s3;
	s0 =	sld [smem:$0x3FAD]  }
0x30: {  	s3 =	sld [smem:$0x3FB0]  }
0x31: {  	[smem:$0x3FB9] =	sst s10  }
0x32: {  	s10 =	sld [smem:$0x3FB7];
	_ =	sdelay $0x3  }
0x33: {  	p0 =	seq.s32 s10, $0x1;
	s10 =	sld [smem:$0x3FB9];
	_ =	sdelay $0x3  }
0x34: {  	[smem:$0x3FB9] =	sst s10  }
0x35: {  	s10 =	sld [smem:$0x3FB8];
	_ =	sdelay $0x3  }
0x36: {  	p1 =	seq.s32 s10, $0x1;
	s10 =	sld [smem:$0x3FB9];
	_ =	sdelay $0x3  }
0x37: {  	[smem:$0x3FB9] =	sst s10  }
0x38: {  	s10 =	sld [smem:$0x3FBA]  }
0x39: {  	_ = 	snop;
	(pc) =	sbr.ind lr, $3  }
0x3a: {  	_ = 	snop  }
0x3b: {  	_ = 	snop  }
0x3c: {  	p2 =	seq.s32 s10, $0x1;
	s10 =	sld [smem:$0x3FB9]  }
0x3d: {  	_ =	shalt  }
0x3e: {  	_ =	shalt  }
0x3f: {  	_ =	shalt  }
0x40: {  	_ =	shalt  }
0x41: {  	_ =	shalt  }
0x42: {  	_ =	shalt  }
0x43: {  	_ =	shalt  }
0x44: {  	_ =	shalt  }
0x45: {  	_ =	shalt  }
0x46: {  	_ =	shalt  }
0x47: {  	_ =	shalt  }
0x48: {  	_ =	shalt  }
0x49: {  	_ =	shalt  }
0x4a: {  	_ =	shalt  }
0x4b: {  	_ =	shalt  }
0x4c: {  	_ =	shalt  }
0x4d: {  	_ =	shalt  }
0x4e: {  	_ =	shalt  }
0x4f: {  	_ =	shalt  }
0x50: {  	_ =	shalt  }
0x51: {  	_ =	shalt  }
0x52: {  	_ =	shalt  }
0x53: {  	_ =	shalt  }
0x54: {  	_ =	shalt  }
0x55: {  	_ =	shalt  }
0x56: {  	_ =	shalt  }
0x57: {  	_ =	shalt  }
0x58: {  	_ =	shalt  }
0x59: {  	_ =	shalt  }
0x5a: {  	_ =	shalt  }
0x5b: {  	_ =	shalt  }
0x5c: {  	_ =	shalt  }
0x5d: {  	_ =	shalt  }
0x5e: {  	_ =	shalt  }
0x5f: {  	_ =	shalt  }
0x60: {  	_ =	shalt  }
0x61: {  	_ =	shalt  }
0x62: {  	_ =	shalt  }
0x63: {  	_ =	shalt  }
0x64: {  	_ =	shalt  }
0x65: {  	_ =	shalt  }
0x66: {  	_ =	shalt  }
0x67: {  	_ =	shalt  }
0x68: {  	_ =	shalt  }
0x69: {  	_ =	shalt  }
0x6a: {  	_ =	shalt  }
0x6b: {  	_ =	shalt  }
0x6c: {  	_ =	shalt  }
0x6d: {  	_ =	shalt  }
0x6e: {  	_ =	shalt  }
0x6f: {  	_ =	shalt  }
0x70: {  	_ =	shalt  }
0x71: {  	_ =	shalt  }
0x72: {  	_ =	shalt  }
0x73: {  	_ =	shalt  }
0x74: {  	_ =	shalt  }
0x75: {  	_ =	shalt  }
0x76: {  	_ =	shalt  }
0x77: {  	_ =	shalt  }
0x78: {  	_ =	shalt  }
0x79: {  	_ =	shalt  }
0x7a: {  	_ =	shalt  }
0x7b: {  	_ =	shalt  }
0x7c: {  	_ =	shalt  }
0x7d: {  	_ =	shalt  }
0x7e: {  	_ =	shalt  }
0x7f: {  	_ =	shalt  }
0x80: {  	_ =	shalt  }
0x81: {  	_ =	shalt  }
0x82: {  	_ =	shalt  }
0x83: {  	_ =	shalt  }
0x84: {  	_ =	shalt  }
0x85: {  	_ =	shalt  }
0x86: {  	_ =	shalt  }
0x87: {  	_ =	shalt  }
.Lfunc_end0:
.L_simem_size_0:
called_computation_lowered:
.L_overlay_start_0:
0x88: {  	s2 =	sld [smem:$0x3FD9]  }
0x89: {  	s3 =	sld [smem:$0x3FFE];
	_ =	sdelay $0x1  }
0x8a: {  	s1 =	srdreg.scid  }
0x8b: {  	s0 =	sand.u32 $0x1, s1  }
0x8c: {  	s17 =	sshll.u32 s0, $0xA;
	s2 =	sadd.s32 s3, s2  }
0x8d: {  	s2 =	sadd.s32 s2, s17  }
0x8e: {  	[smem:$0x3FC5] =	sst s2  }
0x8f: {  	_ = 	snop  }
0x90: {  	s2 =	sld [smem:$0x3FC9]  }
0x91: {  	s18 =	sld [smem:$0x3FD0];
	(tm) =	ssettm $0x1  }
0x92: {  	s4 =	sld [smem:$0x3FFB];
	_ =	sdelay $0x3  }
0x93: {  	_ =	strace s4  }
0x94: {  	s4 =	sld [smem:$0x3FFC];
	_ =	sdelay $0x3  }
0x95: {  	_ =	strace s4  }
0x96: {  	s4 =	sld [smem:$0x3FFD];
	_ =	sdelay $0x3  }
0x97: {  	_ =	strace s4  }
0x98: {  	_ =	strace $0x8FFFFFFF  }
0x99: {  	s19 =	sld [smem:$0x3FDB];
	_ =	sdelay $0x1  }
0x9a: {  	s5 =	simm.s32 $_scs_section_size  }
0x9b: {  	s6 =	simm.s32 $_size__tile_overlayer_lowered;
	s7 =	simm.s32 $_tile_overlayer_lowered  }
0x9c: {  	s22 =	simm.s32 $0x1BFF;
	s21 =	sshll.u32 s7, $0x1;
	s4 =	sadd.s32 s5, s19  }
0x9d: {  	s8 =	simm.s32 $0x0;
	s20 =	sshll.u32 s6, $0x1;
	s6 =	sadd.s32 s21, s4  }
0x9e: {  	[timem:s8], [sflag:s22] =	dma.local [hbm:s6], s20  }
0x9f: {  	_ =	swait.ge [sflag:s22], s20  }
0xa0: {  	s5 =	ssub.s32 $0x0, s20;
	[sflag:s22] =	ssyncset.done $0x0  }
0xa1: {  	[sflag:s22] =	ssyncadd.s32 s5;
	_ =	sdelay $0x1  }
0xa2: {  	s23 =	simm.s32 $0x1B8B  }
0xa3: {  	_ =	swait.ge [sflag:s23], $0x1  }
0xa4: {  	[sflag:s23] =	ssyncset.done $0x0  }
0xa5: {  	s25 =	simm.s32 $0x1B8E;
	s24 =	sld [smem:$0x3FFE];
	[sflag:s23] =	ssyncadd.s32 $0xFFFFFFFF  }
0xa6: {  	s26 =	simm.s32 $execute0_lowered;
	[smem:$0x3FD2] =	sst s25  }
0xa7: {  	s6 =	sshll.u32 s26, $0x1;
	_ =	strace $0x80000046;
	[dreg:$0x1] =	wrdreg $0xFFFFFFFF  }
0xa8: {  	s28 =	simm.s32 $_size_execute0_lowered;
	s4 =	sadd.s32 s4, s6;
	[dreg:$0x0] =	wrdreg $0x0  }
0xa9: {  	s6 =	sshll.u32 s28, $0x1;
	[dreg:$0x2] =	wrdreg s4  }
0xaa: {  	[dreg:$0x3] =	wrdreg s6  }
0xab: {  	[dreg:$0x4] =	wrdreg $0xC0  }
0xac: {  	_ =	task [dreg:s8], $0x5FFFF  }
0xad: {  	[dreg:$0x1] =	wrdreg $0xFFFFFFFF  }
0xae: {  	[dreg:$0x0] =	wrdreg $0x60  }
0xaf: {  	[dreg:$0x2] =	wrdreg s18  }
0xb0: {  	[dreg:$0x3] =	wrdreg s2  }
0xb1: {  	[dreg:$0x4] =	wrdreg s24  }
0xb2: {  	[dreg:$0x5] =	wrdreg $0x9  }
0xb3: {  	_ =	task.clear_ibuf [dreg:s8], $0x6FFFF;
	_ =	strace $0x90000046  }
0xb4: {  	s29 =	simm.s32 $0x9;
	_ =	strace $0x80000048  }
0xb5: {  	_ =	swait.ge [sflag:s29], $0x1  }
0xb6: {  	[sflag:s29] =	ssyncadd.s32 $0xFFFFFFFF  }
0xb7: {  	_ =	strace $0x90000048  }
0xb8: {  	_ =	sfence  }
0xb9: {  	s30 =	sld [smem:$0x0];
	_ =	sdelay $0x2  }
0xba: {  	s31 =	sshll.u32 s1, $0xD;
	s1 =	sshrl.u32 s1, $0x2  }
0xbb: {  	s3 =	sand.u32 $0x4000, s31;
	s1 =	sadd.s32 s1, s30  }
0xbc: {  	s0 =	sor.u32 s3, s0;
	s1 =	sshll.u32 s1, $0x11  }
0xbd: {  	s0 =	sor.u32 s1, s0  }
0xbe: {  	s0 =	sadd.s32 $0x8F2B, s0  }
0xbf: {  	[sflag:s0] =	ssyncadd.remote.s32 $0x1  }
0xc0: {  	_ =	sfence.sel $0xFFFF  }
0xc1: {  	[dreg:$0x0] =	wrdreg $0xFFFFFFFF;
	(pc) =	sbr.abs _section_cstart, $3  }
0xc2: {  	[dreg:$0x1] =	wrdreg $0xFFFFFFFF  }
0xc3: {  	_ =	task.clear_ibuf [dreg:s8], $0x2FFFF;
	_ =	strace $0x9FFFFFFF  }
0xc4: {  	(tm) =	ssettm $0x7FFFFFFF  }
0xc5: {  	_ =	shalt  }
tec
execute0_lowered:
.L_overlay_start_1:
0x0: {  	(tag) =	ssettag $0x1  }
0x1: {  	s1 =	rddreg [dreg:$0x0];
	s2 =	srdreg.scid  }
0x2: {  	s4 =	rddreg [dreg:$0x1];
	s0 =	stileid.u32  }
0x3: {  	s8 =	rddreg [dreg:$0x2];
	s3 =	simm.s32 $0x0;
	s6 =	sand.u32 $0x1, s2  }
0x4: {  	s5 =	sshll.u32 s0, $0xA;
	s2 =	rddreg [dreg:$0x3];
	s7 =	sshll.u32 s6, $0x9  }
0x5: {  	[smem:$0x7FF] =	sst s3;
	s9 =	sor.u32 s7, s5  }
0x6: {  	_ =	strace $0x80000047;
	s10 =	ssub.s32 $0x2, s6;
	s5 =	sshrl.u32 s9, $0x3  }
0x7: {  	s6 =	simm.s32 $0x200;
	s5 =	sadd.s32 s4, s5;
	s4 =	simm.s32 $0x2  }
0x8: {  	[tilespmem:s3], [sflag:$0x2] =	stream.linear.gather [hbm4b:s5+s3], $0x200, $0x38;
	[tilespmem:$0x2200] =	vst v63  }
0x9: {  	s7 =	simm.s32 $0x1;
	s11 =	sshrl.u32 s10, $0x1;
	_ =	swait.ge [sflag:s4], $0x200  }
0xa: {  	s9 =	sshll.u32 s9, $0x1;
	s31 =	ssub.s32 s10, s11;
	[sflag:s4] =	ssyncset.done $0x0  }
0xb: {  	s8 =	sadd.s32 s9, s8;
	s9 =	smax.u32 s31, $0x1;
	[sflag:s4] =	ssyncadd.s32 $0xFFFFFE00  }
0xc: {  	[tilespmem:s6], [sflag:$0x1] =	stream.indirect.gather [hbm4b:s1+s6], $0x10, s3, s6, $0xb8;
	[tilespmem:$0x2200] =	vst v63  }
0xd: {  	p0 =	sne.s32 s9, $0x1;
	_ =	swait.ge [sflag:s7], $0x2000  }
.Ltmp0:
0xe: {  	[sflag:s7] =	ssyncset.done $0x0;
	(pc) =	sbr.rel @!p0 .LBB2_2-.Ltmp0, $4  }
0xf: {  	s8 =	sadd.s32 $0x400, s8;
	[sflag:s7] =	ssyncadd.s32 $0xFFFFE000  }
0x10: {  	[hbm4b:s8+s3] =	stream.linear.scatter [tilespmem:s6], [sflag:$0x2], $0x2000, $0x38;
	[tilespmem:$0x2200] =	vst v63  }
0x11: {  	_ =	swait.ge [sflag:s4], $0x2000  }
0x12: {  	s9 =	sadd.s32 $0xFFFFFFFF, s9;
	[sflag:s4] =	ssyncset.done $0x0  }
.LBB2_1:
0x13: {  	p0 =	sne.s32 s9, $0x1;
	s9 =	sadd.s32 $0xFFFFFFFF, s9;
	[sflag:s4] =	ssyncadd.s32 $0xFFFFE000  }
0x14: {  	[tilespmem:s3], [sflag:$0x2] =	stream.linear.gather [hbm4b:s5+s3], $0x200, $0x38;
	[tilespmem:$0x2200] =	vst v63  }
0x15: {  	_ =	swait.ge [sflag:s4], $0x200  }
0x16: {  	[sflag:s4] =	ssyncset.done $0x0  }
0x17: {  	[sflag:s4] =	ssyncadd.s32 $0xFFFFFE00  }
0x18: {  	[tilespmem:s6], [sflag:$0x1] =	stream.indirect.gather [hbm4b:s1+s6], $0x10, s3, s6, $0xb8;
	[tilespmem:$0x2200] =	vst v63  }
0x19: {  	_ =	swait.ge [sflag:s7], $0x2000  }
.Ltmp1:
0x1a: {  	[sflag:s7] =	ssyncset.done $0x0;
	(pc) =	sbr.rel @p0 .LBB2_1-.Ltmp1, $4  }
0x1b: {  	[sflag:s7] =	ssyncadd.s32 $0xFFFFE000  }
0x1c: {  	[hbm4b:s8+s3] =	stream.linear.scatter [tilespmem:s6], [sflag:$0x2], $0x2000, $0x38;
	[tilespmem:$0x2200] =	vst v63  }
0x1d: {  	_ =	swait.ge [sflag:s4], $0x2000  }
0x1e: {  	[sflag:s4] =	ssyncset.done $0x0  }
.LBB2_2:
0x1f: {  	[sflag:s4] =	ssyncadd.s32 $0xFFFFE000  }
0x20: {  	_ =	sfence.sel $0x180000  }
0x21: {  	[bflag:$0x0] =	sbarrier.arrive $0xFFFF  }
0x22: {  	p0 =	sne.s32 s0, $0x0;
	_ =	strace $0x90000047  }
0x23: {  	s0 =	sadd.s32 @!p0 $0x100000, s2;
	[bflag:$0x2] =	sbarrier.arrive $0xFFFF  }
0x24: {  	[sflag:s0] =	ssyncadd.tile.s32 @!p0 $0x1;
	_ =	shalt  }
.Lfunc_end2:
_tile_overlayer_lowered:
.L_overlay_start_2:
0x25: {  	(tag) =	ssettag $0x2  }
0x26: {  	s0 =	rddreg [dreg:$0x0];
	s2 =	stileid.u32  }
0x27: {  	s1 =	rddreg [dreg:$0x1];
	p0 =	sne.s32 s2, $0x0  }
0x28: {  	s3 =	rddreg [dreg:$0x2];
	[bflag:$0x3] =	sbarrier.arrive $0xFFFF;
	s2 =	simm.s32 @!p0 $0x1C02  }
0x29: {  	[timem:s3], [sflag:s2] =	dma.local @!p0 [hbm:s0], s1  }
0x2a: {  	s0 =	simm.s32 @!p0 $0x2  }
0x2b: {  	_ =	swait.ge @!p0 [sflag:s0], s1  }
0x2c: {  	s1 =	ssub.s32 @!p0 $0x0, s1;
	[sflag:s0] =	ssyncset.done @!p0 $0x0  }
0x2d: {  	[sflag:s0] =	ssyncadd.s32 @!p0 s1  }
0x2e: {  	[bflag:$0x3] =	sbarrier.arrive $0xFFFF  }
0x2f: {  	_ =	shalt  }

// kernel: kernel.8.cloned.1.call-start
scs
__scs_entry_jumppad:
0x0: {  	(pc) =	sbr.rel $0x88, $3  }
0x1: {  	(tag) =	ssettag $0x0;
	lr =	simm.s32 $0x1  }
0x2: {  	[smem:$0x3F9E] =	sst lr;
	_ =	strace $0xD0000000  }
0x3: {  	_ = 	snop  }
0x4: {  	_ = 	snop  }
0x5: {  	_ = 	snop  }
0x6: {  	_ = 	snop  }
0x7: {  	_ = 	snop  }
__scs_overlays_trampoline_lowered:
0x8: {  	[smem:$0x3FAD] =	sst s0  }
0x9: {  	[smem:$0x3FAE] =	sst s1  }
0xa: {  	[smem:$0x3FAF] =	sst s2  }
0xb: {  	[smem:$0x3FB0] =	sst s3  }
0xc: {  	[smem:$0x3FB1] =	sst s4  }
0xd: {  	[smem:$0x3FB2] =	sst s5  }
0xe: {  	[smem:$0x3FB3] =	sst s6  }
0xf: {  	[smem:$0x3FB4] =	sst s7  }
0x10: {  	[smem:$0x3FB5] =	sst s8  }
0x11: {  	[smem:$0x3FB6] =	sst s9;
	s0 =	simm.s32 @!p0 $0x0  }
0x12: {  	s1 =	sld [smem:$0x3F9C];
	s0 =	simm.s32 @p0 $0x1  }
0x13: {  	[smem:$0x3FB7] =	sst s0;
	s0 =	simm.s32 @!p1 $0x0  }
0x14: {  	s2 =	sld [smem:$0x3F9B];
	s0 =	simm.s32 @p1 $0x1  }
0x15: {  	[smem:$0x3FB8] =	sst s0;
	s0 =	simm.s32 @!p2 $0x0  }
0x16: {  	s3 =	sld [smem:$0x3FDB];
	s0 =	simm.s32 @p2 $0x1  }
0x17: {  	s4 =	simm.s32 $0x1BF5;
	[smem:$0x3FBA] =	sst s0  }
0x18: {  	s0 =	sld [smem:$0x3F9D];
	_ =	swait.ge [sflag:s4], $0x0  }
0x19: {  	s7 =	sld [smem:$0x3F9E]  }
0x1a: {  	s8 =	sadd.s32 $0xFFFFE003, lr  }
0x1b: {  	s9 =	sadd.s32 $0xFFFFFEF7, lr;
	s5 =	simm.s32 $0xFFFFFFFF;
	p2 =	slt.u32 s8, $0xFFFFF086  }
0x1c: {  	p1 =	slt.u32 s9, $0xF7A;
	s5 =	simm.s32 @!p2 $0x0  }
0x1d: {  	s5 =	simm.s32 @p1 $0x1;
	p0 =	seq.s32 s7, s2  }
0x1e: {  	s7 =	smul.u32 @!p0 $0xF7A, s2;
	p2 =	seq.s32 @!p0 s5, $0x0  }
0x1f: {  	s9 =	smul.u32 $0xF7A, s1;
	s8 =	simm.s32 @!p0 $0x1BF5;
	p2 =	por !p2, p0  }
0x20: {  	[sflag:s8] =	ssyncset.s32 @!p0 $0xFFFFF086;
	s6 =	sadd.s32 @!p0 s3, s7;
	s7 =	simm.s32 @!p0 $0x108  }
0x21: {  	s3 =	sadd.s32 s3, s9;
	s6 =	sadd.s32 @!p0 $0x88, s6;
	s7 =	simm.s32 @p2 $0x1082  }
0x22: {  	[simem:s7], [sflag:s8] =	dma.local @!p0 [hbm:s6], $0xF7A  }
0x23: {  	s9 =	sor.u32 $0xD0000000, s2;
	s6 =	simm.s32 $0x108;
	_ =	swait.ge @!p0 [sflag:s8], $0x0  }
0x24: {  	s3 =	sadd.s32 $0x88, s3;
	s6 =	simm.s32 @!p1 $0x1082;
	[sflag:s4] =	ssyncset.s32 $0xFFFFF086  }
0x25: {  	[simem:s6], [sflag:s4] =	dma.local [hbm:s3], $0xF7A  }
0x26: {  	[smem:$0x3F9E] =	sst s1;
	(tag) =	ssettag s2;
	_ =	strace s9  }
0x27: {  	s1 =	sld [smem:$0x3FAE]  }
0x28: {  	s2 =	sld [smem:$0x3FAF]  }
0x29: {  	s4 =	sld [smem:$0x3FB1]  }
0x2a: {  	p0 =	seq.s32 s5, $0x0;
	s5 =	sld [smem:$0x3FB2]  }
0x2b: {  	s6 =	sld [smem:$0x3FB3]  }
0x2c: {  	s7 =	sld [smem:$0x3FB4]  }
0x2d: {  	s3 =	simm.s32 $0x108;
	s8 =	sld [smem:$0x3FB5]  }
0x2e: {  	s3 =	simm.s32 @!p0 $0x1082;
	s9 =	sld [smem:$0x3FB6]  }
0x2f: {  	lr =	sadd.s32 s0, s3;
	s0 =	sld [smem:$0x3FAD]  }
0x30: {  	s3 =	sld [smem:$0x3FB0]  }
0x31: {  	[smem:$0x3FB9] =	sst s10  }
0x32: {  	s10 =	sld [smem:$0x3FB7];
	_ =	sdelay $0x3  }
0x33: {  	p0 =	seq.s32 s10, $0x1;
	s10 =	sld [smem:$0x3FB9];
	_ =	sdelay $0x3  }
0x34: {  	[smem:$0x3FB9] =	sst s10  }
0x35: {  	s10 =	sld [smem:$0x3FB8];
	_ =	sdelay $0x3  }
0x36: {  	p1 =	seq.s32 s10, $0x1;
	s10 =	sld [smem:$0x3FB9];
	_ =	sdelay $0x3  }
0x37: {  	[smem:$0x3FB9] =	sst s10  }
0x38: {  	s10 =	sld [smem:$0x3FBA]  }
0x39: {  	_ = 	snop;
	(pc) =	sbr.ind lr, $3  }
0x3a: {  	_ = 	snop  }
0x3b: {  	_ = 	snop  }
0x3c: {  	p2 =	seq.s32 s10, $0x1;
	s10 =	sld [smem:$0x3FB9]  }
0x3d: {  	_ =	shalt  }
0x3e: {  	_ =	shalt  }
0x3f: {  	_ =	shalt  }
0x40: {  	_ =	shalt  }
0x41: {  	_ =	shalt  }
0x42: {  	_ =	shalt  }
0x43: {  	_ =	shalt  }
0x44: {  	_ =	shalt  }
0x45: {  	_ =	shalt  }
0x46: {  	_ =	shalt  }
0x47: {  	_ =	shalt  }
0x48: {  	_ =	shalt  }
0x49: {  	_ =	shalt  }
0x4a: {  	_ =	shalt  }
0x4b: {  	_ =	shalt  }
0x4c: {  	_ =	shalt  }
0x4d: {  	_ =	shalt  }
0x4e: {  	_ =	shalt  }
0x4f: {  	_ =	shalt  }
0x50: {  	_ =	shalt  }
0x51: {  	_ =	shalt  }
0x52: {  	_ =	shalt  }
0x53: {  	_ =	shalt  }
0x54: {  	_ =	shalt  }
0x55: {  	_ =	shalt  }
0x56: {  	_ =	shalt  }
0x57: {  	_ =	shalt  }
0x58: {  	_ =	shalt  }
0x59: {  	_ =	shalt  }
0x5a: {  	_ =	shalt  }
0x5b: {  	_ =	shalt  }
0x5c: {  	_ =	shalt  }
0x5d: {  	_ =	shalt  }
0x5e: {  	_ =	shalt  }
0x5f: {  	_ =	shalt  }
0x60: {  	_ =	shalt  }
0x61: {  	_ =	shalt  }
0x62: {  	_ =	shalt  }
0x63: {  	_ =	shalt  }
0x64: {  	_ =	shalt  }
0x65: {  	_ =	shalt  }
0x66: {  	_ =	shalt  }
0x67: {  	_ =	shalt  }
0x68: {  	_ =	shalt  }
0x69: {  	_ =	shalt  }
0x6a: {  	_ =	shalt  }
0x6b: {  	_ =	shalt  }
0x6c: {  	_ =	shalt  }
0x6d: {  	_ =	shalt  }
0x6e: {  	_ =	shalt  }
0x6f: {  	_ =	shalt  }
0x70: {  	_ =	shalt  }
0x71: {  	_ =	shalt  }
0x72: {  	_ =	shalt  }
0x73: {  	_ =	shalt  }
0x74: {  	_ =	shalt  }
0x75: {  	_ =	shalt  }
0x76: {  	_ =	shalt  }
0x77: {  	_ =	shalt  }
0x78: {  	_ =	shalt  }
0x79: {  	_ =	shalt  }
0x7a: {  	_ =	shalt  }
0x7b: {  	_ =	shalt  }
0x7c: {  	_ =	shalt  }
0x7d: {  	_ =	shalt  }
0x7e: {  	_ =	shalt  }
0x7f: {  	_ =	shalt  }
0x80: {  	_ =	shalt  }
0x81: {  	_ =	shalt  }
0x82: {  	_ =	shalt  }
0x83: {  	_ =	shalt  }
0x84: {  	_ =	shalt  }
0x85: {  	_ =	shalt  }
0x86: {  	_ =	shalt  }
0x87: {  	_ =	shalt  }
.Lfunc_end0:
.L_simem_size_0:
called_computation.1_lowered:
.L_overlay_start_0:
0x88: {  	s2 =	sld [smem:$0x3FD9]  }
0x89: {  	s3 =	sld [smem:$0x3FFE];
	_ =	sdelay $0x1  }
0x8a: {  	s1 =	srdreg.scid  }
0x8b: {  	s0 =	sand.u32 $0x1, s1  }
0x8c: {  	s17 =	sshll.u32 s0, $0xA;
	s2 =	sadd.s32 s3, s2  }
0x8d: {  	s2 =	sadd.s32 s2, s17  }
0x8e: {  	[smem:$0x3FC5] =	sst s2  }
0x8f: {  	_ = 	snop  }
0x90: {  	s18 =	sld [smem:$0x3FC9];
	(tm) =	ssettm $0x1  }
0x91: {  	s19 =	sld [smem:$0x3FFB];
	_ =	sdelay $0x3  }
0x92: {  	_ =	strace s19  }
0x93: {  	s2 =	sld [smem:$0x3FFC];
	_ =	sdelay $0x3  }
0x94: {  	_ =	strace s2  }
0x95: {  	s2 =	sld [smem:$0x3FFD];
	_ =	sdelay $0x3  }
0x96: {  	_ =	strace s2  }
0x97: {  	_ =	strace $0x8FFFFFFF  }
0x98: {  	s20 =	sld [smem:$0x3FDB];
	_ =	sdelay $0x1  }
0x99: {  	s4 =	simm.s32 $_scs_section_size  }
0x9a: {  	s5 =	simm.s32 $_size__tile_overlayer_lowered;
	s6 =	simm.s32 $_tile_overlayer_lowered  }
0x9b: {  	s7 =	simm.s32 $0x1BFF;
	s21 =	sshll.u32 s6, $0x1;
	s4 =	sadd.s32 s4, s20  }
0x9c: {  	s22 =	simm.s32 $0x0;
	s5 =	sshll.u32 s5, $0x1;
	s6 =	sadd.s32 s21, s4  }
0x9d: {  	[timem:s22], [sflag:s7] =	dma.local [hbm:s6], s5  }
0x9e: {  	_ =	swait.ge [sflag:s7], s5  }
0x9f: {  	s5 =	ssub.s32 $0x0, s5;
	[sflag:s7] =	ssyncset.done $0x0  }
0xa0: {  	[sflag:s7] =	ssyncadd.s32 s5;
	_ =	sdelay $0x1  }
0xa1: {  	s23 =	simm.s32 $0x1B8B  }
0xa2: {  	_ =	swait.ge [sflag:s23], $0x1  }
0xa3: {  	[sflag:s23] =	ssyncset.done $0x0  }
0xa4: {  	[sflag:s23] =	ssyncadd.s32 $0xFFFFFFFF  }
0xa5: {  	s5 =	sld [smem:$0x0]  }
0xa6: {  	s6 =	sand.u32 $0xFFFFFFFE, s1  }
0xa7: {  	p0 =	sne.s32 s1, s6  }
0xa8: {  	s6 =	sshll.u32 @p0 s6, $0xE  }
0xa9: {  	s6 =	sadd.s32 @p0 $0x11B8D, s6;
	s7 =	sshll.u32 @p0 s5, $0x11  }
0xaa: {  	s6 =	sor.u32 @p0 s7, s6  }
0xab: {  	[sflag:s6] =	ssyncadd.remote.s32 @p0 $0x1;
	_ =	sdelay $0x1  }
0xac: {  	s6 =	simm.s32 @p0 $0x1B8D  }
0xad: {  	_ =	swait.eq @p0 [sflag:s6], $0x1  }
0xae: {  	[sflag:s6] =	ssyncadd.s32 @p0 $0xFFFFFFFF  }
0xaf: {  	s7 =	sshll.u32 @!p0 s1, $0xE  }
0xb0: {  	s7 =	sor.u32 @!p0 $0x4000, s7;
	s6 =	simm.s32 @!p0 $0x1B8D  }
0xb1: {  	s5 =	sshll.u32 @!p0 s5, $0x11;
	s7 =	sadd.s32 @!p0 $0x11B8D, s7;
	_ =	swait.eq @!p0 [sflag:s6], $0x1  }
0xb2: {  	s5 =	sor.u32 @!p0 s5, s7;
	[sflag:s6] =	ssyncadd.s32 @!p0 $0xFFFFFFFF  }
0xb3: {  	s25 =	simm.s32 $0x1B8E;
	s24 =	sld [smem:$0x3FFE];
	[sflag:s5] =	ssyncadd.remote.s32 @!p0 $0x1  }
0xb4: {  	s26 =	simm.s32 $execute0_lowered;
	[smem:$0x3FD2] =	sst s25  }
0xb5: {  	s6 =	sshll.u32 s26, $0x1;
	_ =	strace $0x80000049;
	[dreg:$0x1] =	wrdreg $0xFFFFFFFF  }
0xb6: {  	s28 =	simm.s32 $_size_execute0_lowered;
	s4 =	sadd.s32 s4, s6;
	[dreg:$0x0] =	wrdreg $0x0  }
0xb7: {  	s6 =	sshll.u32 s28, $0x1;
	[dreg:$0x2] =	wrdreg s4  }
0xb8: {  	[dreg:$0x3] =	wrdreg s6  }
0xb9: {  	[dreg:$0x4] =	wrdreg $0xC0  }
0xba: {  	_ =	task [dreg:s22], $0x5FFFF  }
0xbb: {  	[dreg:$0x1] =	wrdreg $0xFFFFFFFF  }
0xbc: {  	[dreg:$0x0] =	wrdreg $0x60  }
0xbd: {  	[dreg:$0x2] =	wrdreg s18  }
0xbe: {  	[dreg:$0x3] =	wrdreg s24  }
0xbf: {  	[dreg:$0x4] =	wrdreg $0xB100  }
0xc0: {  	[dreg:$0x5] =	wrdreg $0xA  }
0xc1: {  	_ =	task.clear_ibuf [dreg:s22], $0x6FFFF;
	_ =	strace $0x90000049  }
0xc2: {  	s29 =	simm.s32 $0xA;
	_ =	strace $0x8000004B  }
0xc3: {  	_ =	swait.ge [sflag:s29], $0x1  }
0xc4: {  	[sflag:s29] =	ssyncadd.s32 $0xFFFFFFFF  }
0xc5: {  	_ =	strace $0x9000004B  }
0xc6: {  	_ =	sfence  }
0xc7: {  	s30 =	sld [smem:$0x0];
	_ =	sdelay $0x2  }
0xc8: {  	s31 =	sshll.u32 s1, $0xD;
	s1 =	sshrl.u32 s1, $0x2  }
0xc9: {  	s4 =	sand.u32 $0x4000, s31;
	s1 =	sadd.s32 s1, s30  }
0xca: {  	s0 =	sor.u32 s4, s0;
	s1 =	sshll.u32 s1, $0x11  }
0xcb: {  	s0 =	sor.u32 s1, s0  }
0xcc: {  	s0 =	sadd.s32 $0x8F2B, s0  }
0xcd: {  	[sflag:s0] =	ssyncadd.remote.s32 $0x1  }
0xce: {  	_ =	sfence.sel $0xFFFF  }
0xcf: {  	[dreg:$0x0] =	wrdreg $0xFFFFFFFF;
	(pc) =	sbr.abs _section_cstart, $3  }
0xd0: {  	[dreg:$0x1] =	wrdreg $0xFFFFFFFF  }
0xd1: {  	_ =	task.clear_ibuf [dreg:s22], $0x2FFFF;
	_ =	strace $0x9FFFFFFF  }
0xd2: {  	(tm) =	ssettm $0x7FFFFFFF  }
0xd3: {  	_ =	shalt  }
tec
execute0_lowered:
.L_overlay_start_1:
0x0: {  	(tag) =	ssettag $0x1  }
0x1: {  	s6 =	rddreg [dreg:$0x0]  }
0x2: {  	s1 =	srdreg.scid;
	s5 =	rddreg [dreg:$0x1]  }
0x3: {  	s0 =	stileid.u32;
	s2 =	rddreg [dreg:$0x2];
	s3 =	simm.s32 $0x0  }
0x4: {  	s9 =	simm.s32 $0x1;
	s13 =	simm.s32 $0xA00;
	s14 =	simm.s32 $0xA10  }
0x5: {  	s8 =	sand.u32 $0x1, s1;
	s29 =	sshll.u32 s0, $0x1;
	s1 =	rddreg [dreg:$0x3]  }
0x6: {  	s15 =	simm.s32 $0x800;
	[smem:$0x7FF] =	sst s3;
	s7 =	sor.u32 s8, s29  }
0x7: {  	s4 =	sadd.s32 $0x8400, s5;
	p1 =	seq.s32 s8, $0x1;
	p0 =	seq.s32 s7, $0x0  }
0x8: {  	s31 =	sshll.u32 s0, $0x4;
	_ =	strace $0x8000004A;
	p0 =	por !p0, !p1  }
0x9: {  	s10 =	ssub.s32 $0x2, s8;
	s8 =	sshll.u32 s8, $0x9;
	p0 =	por !p0, !p0  }
0xa: {  	s7 =	sshll.u32 s7, $0x6;
	s11 =	sshrl.u32 s10, $0x1;
	s9 =	simm.s32 @!p0 $0x0  }
0xb: {  	s12 =	sadd.s32 s7, s5;
	s10 =	ssub.s32 s10, s11;
	s9 =	ssub.s32 s0, s9  }
0xc: {  	s5 =	simm.s32 $0x1;
	s7 =	sadd.s32 s31, s2;
	s9 =	sshll.u32 s9, $0x7  }
0xd: {  	s11 =	simm.s32 $0x2;
	s10 =	smax.u32 s10, $0x1;
	s30 =	sand.u32 $0x1FFFFF80, s9  }
0xe: {  	s9 =	sadd.s32 $0x8C00, s12;
	s12 =	simm.s32 $0x400;
	s6 =	sadd.s32 s6, s30  }
.LBB2_1:
0xf: {  	[tilespmem:s3], [sflag:$0x2] =	stream.linear.gather [hbm4b:s6+s3], $0x400, $0x38;
	[tilespmem:$0xB20] =	vst v63  }
0x10: {  	_ =	swait.ge [sflag:s11], $0x400  }
0x11: {  	[sflag:s11] =	ssyncset.done $0x0  }
0x12: {  	[sflag:s11] =	ssyncadd.s32 $0xFFFFFC00  }
0x13: {  	[tilespmem:s12], [sflag:$0x1] =	stream.indirect.gather [hbm4b:s4+s12], $0x1, s3, s12, $0xb8;
	[tilespmem:$0xB20] =	vst v63  }
0x14: {  	_ =	swait.ge [sflag:s5], $0x400  }
0x15: {  	[sflag:s5] =	ssyncset.done $0x0  }
0x16: {  	[sflag:s5] =	ssyncadd.s32 $0xFFFFFC00  }
0x17: {  	v0 =	vld [tilespmem:$0x400]  }
0x18: {  	v1 =	vld [tilespmem:$0x410]  }
0x19: {  	v2 =	vld [tilespmem:$0x420]  }
0x1a: {  	v3 =	vld [tilespmem:$0x430]  }
0x1b: {  	v4 =	vld [tilespmem:$0x440]  }
0x1c: {  	v5 =	vld [tilespmem:$0x450]  }
0x1d: {  	v13 =	vld [tilespmem:$0x460];
	v0 =	vmax.f32 v0, v1  }
0x1e: {  	v14 =	vld [tilespmem:$0x470];
	v0 =	vmax.f32 v0, v2  }
0x1f: {  	v15 =	vld [tilespmem:$0x480];
	v0 =	vmax.f32 v0, v3  }
0x20: {  	v16 =	vld [tilespmem:$0x490];
	v0 =	vmax.f32 v0, v4  }
0x21: {  	v17 =	vld [tilespmem:$0x4A0];
	v0 =	vmax.f32 v0, v5  }
0x22: {  	v18 =	vld [tilespmem:$0x4B0];
	v0 =	vmax.f32 v0, v13  }
0x23: {  	v19 =	vld [tilespmem:$0x4C0];
	v0 =	vmax.f32 v0, v14  }
0x24: {  	v20 =	vld [tilespmem:$0x4D0];
	v0 =	vmax.f32 v0, v15  }
0x25: {  	v21 =	vld [tilespmem:$0x4E0];
	v0 =	vmax.f32 v0, v16  }
0x26: {  	v22 =	vld [tilespmem:$0x4F0];
	v0 =	vmax.f32 v0, v17  }
0x27: {  	v23 =	vld [tilespmem:$0x500];
	v0 =	vmax.f32 v0, v18  }
0x28: {  	v24 =	vld [tilespmem:$0x510];
	v0 =	vmax.f32 v0, v19  }
0x29: {  	v25 =	vld [tilespmem:$0x520];
	v0 =	vmax.f32 v0, v20  }
0x2a: {  	v26 =	vld [tilespmem:$0x530];
	v0 =	vmax.f32 v0, v21  }
0x2b: {  	v27 =	vld [tilespmem:$0x540];
	v0 =	vmax.f32 v0, v22  }
0x2c: {  	v28 =	vld [tilespmem:$0x550];
	v0 =	vmax.f32 v0, v23  }
0x2d: {  	v29 =	vld [tilespmem:$0x560];
	v0 =	vmax.f32 v0, v24  }
0x2e: {  	v30 =	vld [tilespmem:$0x570];
	v0 =	vmax.f32 v0, v25  }
0x2f: {  	v31 =	vld [tilespmem:$0x580];
	v0 =	vmax.f32 v0, v26  }
0x30: {  	v32 =	vld [tilespmem:$0x590];
	v0 =	vmax.f32 v0, v27  }
0x31: {  	v33 =	vld [tilespmem:$0x5A0];
	v0 =	vmax.f32 v0, v28  }
0x32: {  	v34 =	vld [tilespmem:$0x5B0];
	v0 =	vmax.f32 v0, v29  }
0x33: {  	v35 =	vld [tilespmem:$0x5C0];
	v0 =	vmax.f32 v0, v30  }
0x34: {  	v36 =	vld [tilespmem:$0x5D0];
	v0 =	vmax.f32 v0, v31  }
0x35: {  	v37 =	vld [tilespmem:$0x5E0];
	v0 =	vmax.f32 v0, v32  }
0x36: {  	v38 =	vld [tilespmem:$0x5F0];
	v0 =	vmax.f32 v0, v33  }
0x37: {  	v39 =	vld [tilespmem:$0x600];
	v0 =	vmax.f32 v0, v34  }
0x38: {  	v40 =	vld [tilespmem:$0x610];
	v0 =	vmax.f32 v0, v35  }
0x39: {  	v41 =	vld [tilespmem:$0x620];
	v0 =	vmax.f32 v0, v36  }
0x3a: {  	v42 =	vld [tilespmem:$0x630];
	v0 =	vmax.f32 v0, v37  }
0x3b: {  	v43 =	vld [tilespmem:$0x640];
	v0 =	vmax.f32 v0, v38  }
0x3c: {  	v44 =	vld [tilespmem:$0x650];
	v0 =	vmax.f32 v0, v39  }
0x3d: {  	v45 =	vld [tilespmem:$0x660];
	v0 =	vmax.f32 v0, v40  }
0x3e: {  	v46 =	vld [tilespmem:$0x670];
	v0 =	vmax.f32 v0, v41  }
0x3f: {  	v47 =	vld [tilespmem:$0x680];
	v0 =	vmax.f32 v0, v42  }
0x40: {  	v48 =	vld [tilespmem:$0x690];
	v0 =	vmax.f32 v0, v43  }
0x41: {  	v49 =	vld [tilespmem:$0x6A0];
	v0 =	vmax.f32 v0, v44  }
0x42: {  	v50 =	vld [tilespmem:$0x6B0];
	v0 =	vmax.f32 v0, v45  }
0x43: {  	v51 =	vld [tilespmem:$0x6C0];
	v0 =	vmax.f32 v0, v46  }
0x44: {  	v52 =	vld [tilespmem:$0x6D0];
	v0 =	vmax.f32 v0, v47  }
0x45: {  	v53 =	vld [tilespmem:$0x6E0];
	v0 =	vmax.f32 v0, v48  }
0x46: {  	v54 =	vld [tilespmem:$0x6F0];
	v0 =	vmax.f32 v0, v49  }
0x47: {  	v55 =	vld [tilespmem:$0x700];
	v0 =	vmax.f32 v0, v50  }
0x48: {  	v56 =	vld [tilespmem:$0x710];
	v0 =	vmax.f32 v0, v51  }
0x49: {  	v57 =	vld [tilespmem:$0x720];
	v0 =	vmax.f32 v0, v52  }
0x4a: {  	v58 =	vld [tilespmem:$0x730];
	v0 =	vmax.f32 v0, v53  }
0x4b: {  	v59 =	vld [tilespmem:$0x740];
	v0 =	vmax.f32 v0, v54  }
0x4c: {  	v60 =	vld [tilespmem:$0x750];
	v0 =	vmax.f32 v0, v55  }
0x4d: {  	v61 =	vld [tilespmem:$0x760];
	v0 =	vmax.f32 v0, v56  }
0x4e: {  	v62 =	vld [tilespmem:$0x770];
	v0 =	vmax.f32 v0, v57  }
0x4f: {  	v63 =	vld [tilespmem:$0x780];
	v0 =	vmax.f32 v0, v58  }
0x50: {  	v8 =	vld [tilespmem:$0x790];
	v0 =	vmax.f32 v0, v59  }
0x51: {  	v9 =	vld [tilespmem:$0x7A0];
	v0 =	vmax.f32 v0, v60  }
0x52: {  	v10 =	vld [tilespmem:$0x7B0];
	v0 =	vmax.f32 v0, v61  }
0x53: {  	v11 =	vld [tilespmem:$0x7C0];
	v0 =	vmax.f32 v0, v62  }
0x54: {  	v12 =	vld [tilespmem:$0x7D0];
	v0 =	vmax.f32 v0, v63  }
0x55: {  	v13 =	vld [tilespmem:$0x7E0];
	v0 =	vmax.f32 v0, v8  }
0x56: {  	v14 =	vld [tilespmem:$0x7F0];
	v0 =	vmax.f32 v0, v9  }
0x57: {  	v0 =	vmax.f32 v0, v10  }
0x58: {  	v0 =	vmax.f32 v0, v11  }
0x59: {  	v0 =	vmax.f32 v0, v12  }
0x5a: {  	v0 =	vmax.f32 v0, v13  }
0x5b: {  	v0 =	vmax.f32 v0, v14  }
0x5c: {  	[tilespmem:$0xA00] =	vst v0  }
0x5d: {  	[spmem:s7] =	stream.linear.scatter [tilespmem:s13], [sflag:$0x2], $0x10, $0x38;
	[tilespmem:$0xB20] =	vst v63  }
0x5e: {  	_ =	swait.ge [sflag:s11], $0x10  }
0x5f: {  	[sflag:s11] =	ssyncset.done $0x0  }
0x60: {  	[sflag:s11] =	ssyncadd.s32 $0xFFFFFFF0  }
0x61: {  	[bflag:$0x0] =	sbarrier.arrive $0xFFFF  }
0x62: {  	[tilespmem:s14], [sflag:$0x2] =	stream.linear.gather [spmem:s2], $0x100, $0x38;
	[tilespmem:$0xB20] =	vst v63  }
0x63: {  	_ =	swait.ge [sflag:s11], $0x100  }
0x64: {  	[sflag:s11] =	ssyncset.done $0x0  }
0x65: {  	[sflag:s11] =	ssyncadd.s32 $0xFFFFFF00  }
0x66: {  	v15 =	vld [tilespmem:$0xA10]  }
0x67: {  	v16 =	vld [tilespmem:$0xA20]  }
0x68: {  	v17 =	vld [tilespmem:$0xA30]  }
0x69: {  	v18 =	vld [tilespmem:$0xA40]  }
0x6a: {  	v19 =	vld [tilespmem:$0xA50]  }
0x6b: {  	v20 =	vld [tilespmem:$0xA60]  }
0x6c: {  	v21 =	vld [tilespmem:$0xA70];
	v0 =	vmax.f32 v15, v16  }
0x6d: {  	v22 =	vld [tilespmem:$0xA80];
	v0 =	vmax.f32 v0, v17  }
0x6e: {  	v23 =	vld [tilespmem:$0xA90];
	v0 =	vmax.f32 v0, v18  }
0x6f: {  	v24 =	vld [tilespmem:$0xAA0];
	v0 =	vmax.f32 v0, v19  }
0x70: {  	v25 =	vld [tilespmem:$0xAB0];
	v0 =	vmax.f32 v0, v20  }
0x71: {  	v26 =	vld [tilespmem:$0xAC0];
	v0 =	vmax.f32 v0, v21  }
0x72: {  	v27 =	vld [tilespmem:$0xAD0];
	v0 =	vmax.f32 v0, v22  }
0x73: {  	v28 =	vld [tilespmem:$0xAE0];
	v0 =	vmax.f32 v0, v23  }
0x74: {  	v29 =	vld [tilespmem:$0xAF0];
	v0 =	vmax.f32 v0, v24  }
0x75: {  	v30 =	vld [tilespmem:$0xB00];
	v0 =	vmax.f32 v0, v25  }
0x76: {  	v0 =	vmax.f32 v0, v26  }
0x77: {  	v0 =	vmax.f32 v0, v27  }
0x78: {  	v0 =	vmax.f32 v0, v28  }
0x79: {  	v0 =	vmax.f32 v0, v29  }
0x7a: {  	v0 =	vmax.f32 v0, v30  }
0x7b: {  	(xrf0) =	vmax.scan.msk.f32 $0xffff, v0;
	_ =	sdelay $0x5  }
0x7c: {  	v0, _, _ =	vpop (xrf0)  }
0x7d: {  	(v2sf) =	vpush v0, $0xF;
	_ =	sdelay $0x3  }
0x7e: {  	v0 =	vbroadcast v0, $0xF;
	_ =	sdelay $0x1  }
0x7f: {  	(erf) = vrcp.f32 v0;
	_ =	sdelay $0x4  }
0x80: {  	v31 =	vld [tilespmem:s8+$0x400];
	_ =	sdelay $0x3  }
0x81: {  	v32 =	vpop (erf);
	s16 =	spop (v2sf)  }
0x82: {  	v33 =	vmul.f32 v32, v31;
	p0 =	sgt.f32 s16, $0.0e+00;
	_ =	sdelay $0x1  }
0x83: {  	v0 =	vpsel p0, v33, v31  }
0x84: {  	[tilespmem:$0x800] =	vst v0  }
0x85: {  	v0 =	vld [tilespmem:s8+$0x410];
	_ =	sdelay $0x4  }
0x86: {  	v34 =	vmul.f32 v32, v0;
	_ =	sdelay $0x1  }
0x87: {  	v0 =	vpsel p0, v34, v0  }
0x88: {  	[tilespmem:$0x810] =	vst v0  }
0x89: {  	v0 =	vld [tilespmem:s8+$0x420];
	_ =	sdelay $0x4  }
0x8a: {  	v35 =	vmul.f32 v32, v0;
	_ =	sdelay $0x1  }
0x8b: {  	v0 =	vpsel p0, v35, v0  }
0x8c: {  	[tilespmem:$0x820] =	vst v0  }
0x8d: {  	v0 =	vld [tilespmem:s8+$0x430];
	_ =	sdelay $0x4  }
0x8e: {  	v36 =	vmul.f32 v0, v32;
	_ =	sdelay $0x1  }
0x8f: {  	v0 =	vpsel p0, v36, v0  }
0x90: {  	[tilespmem:$0x830] =	vst v0  }
0x91: {  	v0 =	vld [tilespmem:s8+$0x440];
	_ =	sdelay $0x4  }
0x92: {  	v37 =	vmul.f32 v0, v32;
	_ =	sdelay $0x1  }
0x93: {  	v0 =	vpsel p0, v37, v0  }
0x94: {  	[tilespmem:$0x840] =	vst v0  }
0x95: {  	v0 =	vld [tilespmem:s8+$0x450];
	_ =	sdelay $0x4  }
0x96: {  	v38 =	vmul.f32 v0, v32;
	_ =	sdelay $0x1  }
0x97: {  	v0 =	vpsel p0, v38, v0  }
0x98: {  	[tilespmem:$0x850] =	vst v0  }
0x99: {  	v0 =	vld [tilespmem:s8+$0x460];
	_ =	sdelay $0x4  }
0x9a: {  	v39 =	vmul.f32 v0, v32;
	_ =	sdelay $0x1  }
0x9b: {  	v0 =	vpsel p0, v39, v0  }
0x9c: {  	[tilespmem:$0x860] =	vst v0  }
0x9d: {  	v0 =	vld [tilespmem:s8+$0x470];
	_ =	sdelay $0x4  }
0x9e: {  	v40 =	vmul.f32 v0, v32;
	_ =	sdelay $0x1  }
0x9f: {  	v0 =	vpsel p0, v40, v0  }
0xa0: {  	[tilespmem:$0x870] =	vst v0  }
0xa1: {  	v0 =	vld [tilespmem:s8+$0x480];
	_ =	sdelay $0x4  }
0xa2: {  	v41 =	vmul.f32 v0, v32;
	_ =	sdelay $0x1  }
0xa3: {  	v0 =	vpsel p0, v41, v0  }
0xa4: {  	[tilespmem:$0x880] =	vst v0  }
0xa5: {  	v0 =	vld [tilespmem:s8+$0x490];
	_ =	sdelay $0x4  }
0xa6: {  	v42 =	vmul.f32 v0, v32;
	_ =	sdelay $0x1  }
0xa7: {  	v0 =	vpsel p0, v42, v0  }
0xa8: {  	[tilespmem:$0x890] =	vst v0  }
0xa9: {  	v0 =	vld [tilespmem:s8+$0x4A0];
	_ =	sdelay $0x4  }
0xaa: {  	v43 =	vmul.f32 v0, v32;
	_ =	sdelay $0x1  }
0xab: {  	v0 =	vpsel p0, v43, v0  }
0xac: {  	[tilespmem:$0x8A0] =	vst v0  }
0xad: {  	v0 =	vld [tilespmem:s8+$0x4B0];
	_ =	sdelay $0x4  }
0xae: {  	v44 =	vmul.f32 v0, v32;
	_ =	sdelay $0x1  }
0xaf: {  	v0 =	vpsel p0, v44, v0  }
0xb0: {  	[tilespmem:$0x8B0] =	vst v0  }
0xb1: {  	v0 =	vld [tilespmem:s8+$0x4C0];
	_ =	sdelay $0x4  }
0xb2: {  	v45 =	vmul.f32 v0, v32;
	_ =	sdelay $0x1  }
0xb3: {  	v0 =	vpsel p0, v45, v0  }
0xb4: {  	[tilespmem:$0x8C0] =	vst v0  }
0xb5: {  	v0 =	vld [tilespmem:s8+$0x4D0];
	_ =	sdelay $0x4  }
0xb6: {  	v46 =	vmul.f32 v0, v32;
	_ =	sdelay $0x1  }
0xb7: {  	v0 =	vpsel p0, v46, v0  }
0xb8: {  	[tilespmem:$0x8D0] =	vst v0  }
0xb9: {  	v0 =	vld [tilespmem:s8+$0x4E0];
	_ =	sdelay $0x4  }
0xba: {  	v47 =	vmul.f32 v0, v32;
	_ =	sdelay $0x1  }
0xbb: {  	v0 =	vpsel p0, v47, v0  }
0xbc: {  	[tilespmem:$0x8E0] =	vst v0  }
0xbd: {  	v0 =	vld [tilespmem:s8+$0x4F0];
	_ =	sdelay $0x4  }
0xbe: {  	v48 =	vmul.f32 v0, v32;
	_ =	sdelay $0x1  }
0xbf: {  	v0 =	vpsel p0, v48, v0  }
0xc0: {  	[tilespmem:$0x8F0] =	vst v0  }
0xc1: {  	v0 =	vld [tilespmem:s8+$0x500];
	_ =	sdelay $0x4  }
0xc2: {  	v49 =	vmul.f32 v0, v32;
	_ =	sdelay $0x1  }
0xc3: {  	v0 =	vpsel p0, v49, v0  }
0xc4: {  	[tilespmem:$0x900] =	vst v0  }
0xc5: {  	v0 =	vld [tilespmem:s8+$0x510];
	_ =	sdelay $0x4  }
0xc6: {  	v50 =	vmul.f32 v0, v32;
	_ =	sdelay $0x1  }
0xc7: {  	v0 =	vpsel p0, v50, v0  }
0xc8: {  	[tilespmem:$0x910] =	vst v0  }
0xc9: {  	v0 =	vld [tilespmem:s8+$0x520];
	_ =	sdelay $0x4  }
0xca: {  	v51 =	vmul.f32 v0, v32;
	_ =	sdelay $0x1  }
0xcb: {  	v0 =	vpsel p0, v51, v0  }
0xcc: {  	[tilespmem:$0x920] =	vst v0  }
0xcd: {  	v0 =	vld [tilespmem:s8+$0x530];
	_ =	sdelay $0x4  }
0xce: {  	v52 =	vmul.f32 v0, v32;
	_ =	sdelay $0x1  }
0xcf: {  	v0 =	vpsel p0, v52, v0  }
0xd0: {  	[tilespmem:$0x930] =	vst v0  }
0xd1: {  	v0 =	vld [tilespmem:s8+$0x540];
	_ =	sdelay $0x4  }
0xd2: {  	v53 =	vmul.f32 v0, v32;
	_ =	sdelay $0x1  }
0xd3: {  	v0 =	vpsel p0, v53, v0  }
0xd4: {  	[tilespmem:$0x940] =	vst v0  }
0xd5: {  	v0 =	vld [tilespmem:s8+$0x550];
	_ =	sdelay $0x4  }
0xd6: {  	v54 =	vmul.f32 v0, v32;
	_ =	sdelay $0x1  }
0xd7: {  	v0 =	vpsel p0, v54, v0  }
0xd8: {  	[tilespmem:$0x950] =	vst v0  }
0xd9: {  	v0 =	vld [tilespmem:s8+$0x560];
	_ =	sdelay $0x4  }
0xda: {  	v55 =	vmul.f32 v0, v32;
	_ =	sdelay $0x1  }
0xdb: {  	v0 =	vpsel p0, v55, v0  }
0xdc: {  	[tilespmem:$0x960] =	vst v0  }
0xdd: {  	v0 =	vld [tilespmem:s8+$0x570];
	_ =	sdelay $0x4  }
0xde: {  	v56 =	vmul.f32 v0, v32;
	_ =	sdelay $0x1  }
0xdf: {  	v0 =	vpsel p0, v56, v0  }
0xe0: {  	[tilespmem:$0x970] =	vst v0  }
0xe1: {  	v0 =	vld [tilespmem:s8+$0x580];
	_ =	sdelay $0x4  }
0xe2: {  	v57 =	vmul.f32 v0, v32;
	_ =	sdelay $0x1  }
0xe3: {  	v0 =	vpsel p0, v57, v0  }
0xe4: {  	[tilespmem:$0x980] =	vst v0  }
0xe5: {  	v0 =	vld [tilespmem:s8+$0x590];
	_ =	sdelay $0x4  }
0xe6: {  	v58 =	vmul.f32 v0, v32;
	_ =	sdelay $0x1  }
0xe7: {  	v0 =	vpsel p0, v58, v0  }
0xe8: {  	[tilespmem:$0x990] =	vst v0  }
0xe9: {  	v0 =	vld [tilespmem:s8+$0x5A0];
	_ =	sdelay $0x4  }
0xea: {  	v59 =	vmul.f32 v0, v32;
	_ =	sdelay $0x1  }
0xeb: {  	v0 =	vpsel p0, v59, v0  }
0xec: {  	[tilespmem:$0x9A0] =	vst v0  }
0xed: {  	v0 =	vld [tilespmem:s8+$0x5B0];
	_ =	sdelay $0x4  }
0xee: {  	v60 =	vmul.f32 v0, v32;
	_ =	sdelay $0x1  }
0xef: {  	v0 =	vpsel p0, v60, v0  }
0xf0: {  	[tilespmem:$0x9B0] =	vst v0  }
0xf1: {  	v0 =	vld [tilespmem:s8+$0x5C0];
	_ =	sdelay $0x4  }
0xf2: {  	v61 =	vmul.f32 v0, v32;
	_ =	sdelay $0x1  }
0xf3: {  	v0 =	vpsel p0, v61, v0  }
0xf4: {  	[tilespmem:$0x9C0] =	vst v0  }
0xf5: {  	v0 =	vld [tilespmem:s8+$0x5D0];
	_ =	sdelay $0x4  }
0xf6: {  	v62 =	vmul.f32 v0, v32;
	_ =	sdelay $0x1  }
0xf7: {  	v0 =	vpsel p0, v62, v0  }
0xf8: {  	[tilespmem:$0x9D0] =	vst v0  }
0xf9: {  	v0 =	vld [tilespmem:s8+$0x5E0];
	_ =	sdelay $0x4  }
0xfa: {  	v63 =	vmul.f32 v0, v32;
	_ =	sdelay $0x1  }
0xfb: {  	v0 =	vpsel p0, v63, v0  }
0xfc: {  	[tilespmem:$0x9E0] =	vst v0  }
0xfd: {  	v0 =	vld [tilespmem:s8+$0x5F0];
	_ =	sdelay $0x4  }
0xfe: {  	v1 =	vmul.f32 v0, v32;
	_ =	sdelay $0x1  }
0xff: {  	v0 =	vpsel p0, v1, v0;
	p0 =	sne.s32 s10, $0x1  }
.Ltmp0:
0x100: {  	[tilespmem:$0x9F0] =	vst v0;
	(pc) =	sbr.rel @p0 .LBB2_1-.Ltmp0, $4  }
0x101: {  	[hbm4b:s9+s3] =	stream.linear.scatter [tilespmem:s15], [sflag:$0x2], $0x200, $0x38;
	[tilespmem:$0xB20] =	vst v63  }
0x102: {  	_ =	swait.ge [sflag:s11], $0x200  }
0x103: {  	[sflag:s11] =	ssyncset.done $0x0  }
0x104: {  	s10 =	sadd.s32 $0xFFFFFFFF, s10;
	[sflag:s11] =	ssyncadd.s32 $0xFFFFFE00  }
0x105: {  	_ =	sfence.sel $0x180000  }
0x106: {  	[bflag:$0x0] =	sbarrier.arrive $0xFFFF  }
0x107: {  	p0 =	sne.s32 s0, $0x0;
	_ =	strace $0x9000004A  }
0x108: {  	s0 =	sadd.s32 @!p0 $0x100000, s1;
	[bflag:$0x2] =	sbarrier.arrive $0xFFFF  }
0x109: {  	[sflag:s0] =	ssyncadd.tile.s32 @!p0 $0x1;
	_ =	shalt  }
.Lfunc_end2:
_tile_overlayer_lowered:
.L_overlay_start_2:
0x10a: {  	(tag) =	ssettag $0x2  }
0x10b: {  	s0 =	rddreg [dreg:$0x0];
	s2 =	stileid.u32  }
0x10c: {  	s1 =	rddreg [dreg:$0x1];
	p0 =	sne.s32 s2, $0x0  }
0x10d: {  	s3 =	rddreg [dreg:$0x2];
	[bflag:$0x3] =	sbarrier.arrive $0xFFFF;
	s2 =	simm.s32 @!p0 $0x1C02  }
0x10e: {  	[timem:s3], [sflag:s2] =	dma.local @!p0 [hbm:s0], s1  }
0x10f: {  	s0 =	simm.s32 @!p0 $0x2  }
0x110: {  	_ =	swait.ge @!p0 [sflag:s0], s1  }
0x111: {  	s1 =	ssub.s32 @!p0 $0x0, s1;
	[sflag:s0] =	ssyncset.done @!p0 $0x0  }
0x112: {  	[sflag:s0] =	ssyncadd.s32 @!p0 s1  }
0x113: {  	[bflag:$0x3] =	sbarrier.arrive $0xFFFF  }
0x114: {  	_ =	shalt  }

</sc_bundles>
